<compile_context>
chip_gen: v7x
topology: tpu7x:2x2x1
jax: 0.10.2.dev20260603
libtpu: 0.0.44.dev20260713+nightly
codegen_flags: <defaults>
</compile_context>

<pallas_src>
import functools

import jax
import jax.numpy as jnp
from jax import lax
from jax.experimental import pallas as pl
from jax.experimental.pallas import tpu as pltpu
from jax.experimental.pallas import tpu_sc as plsc

_B = 8
_N = 262144
_TABLE = 100000
_PTABLE = 102400
_PWORDS = _PTABLE // 32
_LANES = 16
_NUM_CORES = 2
_NUM_SUBCORES = 16
_NW = _NUM_CORES * _NUM_SUBCORES
_WPR = _NW // _B
_PER_W = _N // _WPR
_CHUNK = 16384
_NCHUNK = _PER_W // _CHUNK
_UNROLL = 8
_ENT_PER_TILE = _PTABLE // _NUM_SUBCORES
_W_PER_TILE = _PWORDS // _NUM_SUBCORES
_LAST_ENT = _TABLE - (_NUM_SUBCORES - 1) * _ENT_PER_TILE

_mesh = plsc.VectorSubcoreMesh(core_axis_name="c", subcore_axis_name="s")


@functools.partial(
    pl.kernel,
    mesh=_mesh,
    out_type=jax.ShapeDtypeStruct((_B * _N,), jnp.int32),
    compiler_params=pltpu.CompilerParams(needs_layout_passes=False),
    scratch_types=[
        pltpu.VMEM((_ENT_PER_TILE,), jnp.float32),
        pltpu.VMEM((_W_PER_TILE,), jnp.int32),
        pltpu.VMEM((_PWORDS,), jnp.int32),
        pltpu.VMEM((_LANES,), jnp.float32),
        pltpu.VMEM((1, _CHUNK), jnp.int32),
        pltpu.VMEM((1, _CHUNK), jnp.int32),
        pltpu.VMEM((_CHUNK,), jnp.int32),
        pltpu.VMEM((_CHUNK,), jnp.int32),
        pltpu.VMEM_SHARED((_PWORDS,), jnp.int32),
        pltpu.SemaphoreType.DMA,
        pltpu.SemaphoreType.DMA,
        pltpu.SemaphoreType.DMA,
        pltpu.SemaphoreType.DMA,
        pltpu.SemaphoreType.DMA,
    ],
)
def _gather_mask(image_hbm, counts_hbm, thr_hbm, out_hbm,
                 cnt_v, ploc_v, ptab_v, thr_v, idx0, idx1, res0, res1,
                 ptab_sh, sem_tab, sem_i0, sem_i1, sem_o0, sem_o1):
    cid = lax.axis_index("c")
    sid = lax.axis_index("s")
    wid = sid * _NUM_CORES + cid
    row = wid // _WPR
    col = (wid % _WPR) * _PER_W
    idx_bufs, res_bufs = (idx0, idx1), (res0, res1)
    idx_sems, out_sems = (sem_i0, sem_i1), (sem_o0, sem_o1)
    idx_cps = [None, None]
    out_cps = [None, None]
    idx_cps[0] = pltpu.async_copy(
        image_hbm.at[pl.ds(row, 1), pl.ds(col, _CHUNK)], idx0, sem_i0)
    idx_cps[1] = pltpu.async_copy(
        image_hbm.at[pl.ds(row, 1), pl.ds(col + _CHUNK, _CHUNK)], idx1, sem_i1)
    pltpu.sync_copy(thr_hbm, thr_v)

    @pl.when(sid < _NUM_SUBCORES - 1)
    def _():
        cp = pltpu.make_async_copy(
            counts_hbm.at[pl.ds(sid * _ENT_PER_TILE, _ENT_PER_TILE)],
            cnt_v, sem_tab)
        cp.start()
        cp.wait()

    @pl.when(sid == _NUM_SUBCORES - 1)
    def _():
        cp = pltpu.make_async_copy(
            counts_hbm.at[pl.ds(_TABLE - _LAST_ENT, _LAST_ENT)],
            cnt_v.at[pl.ds(0, _LAST_ENT)], sem_tab)
        cp.start()
        cp.wait()

    thr = thr_v[...]
    w_lo = jnp.int32(1) << lax.iota(jnp.int32, _LANES)
    w_hi = w_lo << 16
    zeros_i = jnp.zeros((_LANES,), jnp.int32)

    lane0 = lax.iota(jnp.int32, _LANES) == 0

    @plsc.parallel_loop(0, _W_PER_TILE, step=1, unroll=4)
    def _(w):
        e = w * 32
        m0 = cnt_v[pl.ds(e, _LANES)] <= thr
        m1 = cnt_v[pl.ds(e + _LANES, _LANES)] <= thr
        contrib = jnp.where(m0, w_lo, zeros_i) | jnp.where(m1, w_hi, zeros_i)
        word = jnp.sum(contrib)
        plsc.store_scatter(ploc_v, [jnp.full((_LANES,), w, jnp.int32)],
                           jnp.full((_LANES,), word, jnp.int32), mask=lane0)

    pltpu.sync_copy(ploc_v, ptab_sh.at[pl.ds(sid * _W_PER_TILE, _W_PER_TILE)])
    plsc.subcore_barrier()
    pltpu.sync_copy(ptab_sh, ptab_v)

    for c in range(_NCHUNK):
        cur = c & 1
        idx_cps[cur].wait()
        if out_cps[cur] is not None:
            out_cps[cur].wait()
        ivec, rvec = idx_bufs[cur], res_bufs[cur]

        @plsc.parallel_loop(0, _CHUNK, step=_LANES, unroll=_UNROLL)
        def _(o, ivec=ivec, rvec=rvec):
            idx = ivec[0, pl.ds(o, _LANES)]
            g = plsc.load_gather(ptab_v, [lax.shift_right_logical(idx, 5)])
            rvec[pl.ds(o, _LANES)] = lax.shift_right_logical(g, idx & 31) & 1

        out_cps[cur] = pltpu.async_copy(
            rvec, out_hbm.at[pl.ds(row * _N + col + c * _CHUNK, _CHUNK)],
            out_sems[cur])
        if c + 2 < _NCHUNK:
            idx_cps[cur] = pltpu.async_copy(
                image_hbm.at[pl.ds(row, 1), pl.ds(col + (c + 2) * _CHUNK, _CHUNK)],
                idx_bufs[cur], idx_sems[cur])
    out_cps[0].wait()
    out_cps[1].wait()


def kernel(image, counts, threshold):
    thr = jnp.full((_LANES,), threshold, dtype=jnp.float32)
    return _gather_mask(image, counts, thr).reshape(_B, _N, 1)

# --- scband reference (transcript-rebuilt; emitter-appended) ---
"""Pipeline reference for scband-remove-small-patches-57690000720346 (READ-ONLY COPY).

The authoritative reference and input builder live on the scoring server;
editing this copy changes nothing except your own understanding.
"""

import jax, jax.numpy as jnp
import numpy as np

B = 8
N = 262144  # 512*512 pixels flattened
NUM_PATCHES = 100000

def setup_inputs(seed: int = 0) -> dict:
    key = jax.random.key(seed)
    k1, k2 = jax.random.split(key)
    image = jax.random.randint(k1, (B, N), 0, NUM_PATCHES, dtype=jnp.int32)
    counts = jax.random.normal(k2, (NUM_PATCHES,), dtype=jnp.float32)
    threshold = 0
    return {"image": image, "counts": counts, "threshold": threshold}


def reference(image, counts, threshold):
    # tf.vectorized_map over batch, then over pixels:
    #   per pixel y: tf.where(counts[[y]] > threshold, 0, 1)  -> shape [1]
    # Vectorized: gather counts at every pixel label, threshold, emit 0/1.
    gathered = jnp.take(counts, image, axis=0)            # [B, N]
    out = jnp.where(gathered > threshold, 0, 1)           # [B, N] int32
    return out[..., None]                                 # [B, N, 1] (inner map returns shape [1])

if __name__ == "__main__":
    import jax
    _d = setup_inputs()
    print(jax.jit(kernel)(*tuple(_d.values())))

</pallas_src>

<mosaic_0001>
#map = affine_map<(d0, d1) -> (0, 0)>
#map1 = affine_map<(d0, d1) -> (0)>
module attributes {stable_mosaic.version = 14 : i64} {
  func.func @_gather_mask(%arg0: i32, %arg1: i32, %arg2: memref<8x262144xi32, #tpu.memory_space<hbm>>, %arg3: memref<100000xf32, #tpu.memory_space<hbm>>, %arg4: memref<16xf32, #tpu.memory_space<hbm>>, %arg5: memref<2097152xi32, #tpu.memory_space<hbm>>, %arg6: memref<6400xf32, #tpu.memory_space<vmem>>, %arg7: memref<200xi32, #tpu.memory_space<vmem>>, %arg8: memref<3200xi32, #tpu.memory_space<vmem>>, %arg9: memref<16xf32, #tpu.memory_space<vmem>>, %arg10: memref<1x16384xi32, #tpu.memory_space<vmem>>, %arg11: memref<1x16384xi32, #tpu.memory_space<vmem>>, %arg12: memref<16384xi32, #tpu.memory_space<vmem>>, %arg13: memref<16384xi32, #tpu.memory_space<vmem>>, %arg14: memref<3200xi32, #tpu.memory_space<vmem_shared>>, %arg15: memref<!tpu.dma_semaphore, #tpu.memory_space<semaphore_mem>>, %arg16: memref<!tpu.dma_semaphore, #tpu.memory_space<semaphore_mem>>, %arg17: memref<!tpu.dma_semaphore, #tpu.memory_space<semaphore_mem>>, %arg18: memref<!tpu.dma_semaphore, #tpu.memory_space<semaphore_mem>>, %arg19: memref<!tpu.dma_semaphore, #tpu.memory_space<semaphore_mem>>) attributes {dimension_semantics = [#tpu.dimension_semantics<core_parallel>, #tpu.dimension_semantics<subcore_parallel>], iteration_bounds = array<i64: 2, 16>, scalar_prefetch = 0 : i64, scratch_operands = 14 : i64, tpu.core_type = #tpu.core_type<sc_vector_subcore>, window_params = [{transform_indices = #map}, {transform_indices = #map1}, {transform_indices = #map1}, {transform_indices = #map1}]} {
    %mul3A = arith.constant 2 : i32
    %mul3A_0 = arith.muli %arg1, %mul3A : i32
    %add3A = arith.addi %mul3A_0, %arg0 : i32
    %jit3A = arith.constant 4 : i32
    %div3A = arith.divsi %add3A, %jit3A : i32
    %sign3A = arith.constant 0 : i32
    %sign3A_1 = arith.cmpi sgt, %add3A, %sign3A : i32
    %sign3A_2 = arith.extui %sign3A_1 : i1 to i32
    %sign3A_3 = arith.constant 0 : i32
    %sign3A_4 = arith.cmpi slt, %add3A, %sign3A_3 : i32
    %sign3A_5 = arith.extui %sign3A_4 : i1 to i32
    %sign3A_6 = arith.subi %sign3A_2, %sign3A_5 : i32
    %sign3A_7 = arith.constant 0 : i32
    %sign3A_8 = arith.cmpi sgt, %jit3A, %sign3A_7 : i32
    %sign3A_9 = arith.extui %sign3A_8 : i1 to i32
    %sign3A_10 = arith.constant 0 : i32
    %sign3A_11 = arith.cmpi slt, %jit3A, %sign3A_10 : i32
    %sign3A_12 = arith.extui %sign3A_11 : i1 to i32
    %sign3A_13 = arith.subi %sign3A_9, %sign3A_12 : i32
    %ne3A = arith.cmpi ne, %sign3A_6, %sign3A_13 : i32
    %rem3A = arith.remsi %add3A, %jit3A : i32
    %ne3A_14 = arith.constant 0 : i32
    %ne3A_15 = arith.cmpi ne, %rem3A, %ne3A_14 : i32
    %and3A = arith.andi %ne3A, %ne3A_15 : i1
    %sub3A = arith.constant 1 : i32
    %sub3A_16 = arith.subi %div3A, %sub3A : i32
    %select_n3A = arith.select %and3A, %sub3A_16, %div3A : i32
    %jit3A_17 = arith.constant 4 : i32
    %eq3A = arith.constant 0 : i32
    %eq3A_18 = arith.cmpi eq, %jit3A_17, %eq3A : i32
    %jit3A_19 = arith.constant 1 : i32
    %select_n3A_20 = arith.select %eq3A_18, %jit3A_19, %jit3A_17 : i32
    %rem3A_21 = arith.remsi %add3A, %select_n3A_20 : i32
    %ne3A_22 = arith.constant 0 : i32
    %ne3A_23 = arith.cmpi ne, %rem3A_21, %ne3A_22 : i32
    %lt3A = arith.constant 0 : i32
    %lt3A_24 = arith.cmpi slt, %rem3A_21, %lt3A : i32
    %lt3A_25 = arith.constant 0 : i32
    %lt3A_26 = arith.cmpi slt, %select_n3A_20, %lt3A_25 : i32
    %ne3A_27 = arith.xori %lt3A_24, %lt3A_26 : i1
    %and3A_28 = arith.andi %ne3A_27, %ne3A_23 : i1
    %add3A_29 = arith.addi %rem3A_21, %select_n3A_20 : i32
    %select_n3A_30 = arith.select %and3A_28, %add3A_29, %rem3A_21 : i32
    %mul3A_31 = arith.constant 65536 : i32
    %mul3A_32 = arith.muli %select_n3A_30, %mul3A_31 : i32
    %dma_start3A = tpu.memref_slice %arg2[%select_n3A, %mul3A_32] : memref<8x262144xi32, #tpu.memory_space<hbm>> -> memref<1x16384xi32, #tpu.memory_space<hbm>>
    %dma_start3A_33 = tpu.memref_slice %arg2[%select_n3A, %mul3A_32] : memref<8x262144xi32, #tpu.memory_space<hbm>> -> memref<1x16384xi32, #tpu.memory_space<hbm>>
    tpu.enqueue_dma source(%dma_start3A_33 : memref<1x16384xi32, #tpu.memory_space<hbm>>) target(%arg10 : memref<1x16384xi32, #tpu.memory_space<vmem>>) target_semaphore(%arg16 : memref<!tpu.dma_semaphore, #tpu.memory_space<semaphore_mem>>)
    %add3A_34 = arith.constant 16384 : i32
    %add3A_35 = arith.addi %mul3A_32, %add3A_34 : i32
    %dma_start3A_36 = tpu.memref_slice %arg2[%select_n3A, %add3A_35] : memref<8x262144xi32, #tpu.memory_space<hbm>> -> memref<1x16384xi32, #tpu.memory_space<hbm>>
    %dma_start3A_37 = tpu.memref_slice %arg2[%select_n3A, %add3A_35] : memref<8x262144xi32, #tpu.memory_space<hbm>> -> memref<1x16384xi32, #tpu.memory_space<hbm>>
    tpu.enqueue_dma source(%dma_start3A_37 : memref<1x16384xi32, #tpu.memory_space<hbm>>) target(%arg11 : memref<1x16384xi32, #tpu.memory_space<vmem>>) target_semaphore(%arg17 : memref<!tpu.dma_semaphore, #tpu.memory_space<semaphore_mem>>)
    "tpu.region"() ({
      %run_scoped3A = tpu.sem_alloc : memref<!tpu.dma_semaphore, #tpu.memory_space<semaphore_mem>>
      tpu.enqueue_dma source(%arg4 : memref<16xf32, #tpu.memory_space<hbm>>) target(%arg9 : memref<16xf32, #tpu.memory_space<vmem>>) target_semaphore(%run_scoped3A : memref<!tpu.dma_semaphore, #tpu.memory_space<semaphore_mem>>)
      tpu.wait_dma2 semaphore(%run_scoped3A : memref<!tpu.dma_semaphore, #tpu.memory_space<semaphore_mem>>) src(%arg4 : memref<16xf32, #tpu.memory_space<hbm>>) dst(%arg9 : memref<16xf32, #tpu.memory_space<vmem>>)
      tpu.yield
    }) : () -> ()
    %lt3A_38 = arith.constant 15 : i32
    %lt3A_39 = arith.cmpi slt, %arg1, %lt3A_38 : i32
    %convert_element_type3A = arith.extui %lt3A_39 : i1 to i32
    %cond3A = arith.constant 0 : i32
    %cond3A_40 = arith.cmpi ne, %convert_element_type3A, %cond3A : i32
    scf.if %cond3A_40 {
      %mul3A_124 = arith.constant 6400 : i32
      %mul3A_125 = arith.muli %arg1, %mul3A_124 : i32
      %dma_start3A_126 = tpu.memref_slice %arg3[%mul3A_125] : memref<100000xf32, #tpu.memory_space<hbm>> -> memref<6400xf32, #tpu.memory_space<hbm>>
      %dma_start3A_127 = tpu.memref_slice %arg3[%mul3A_125] : memref<100000xf32, #tpu.memory_space<hbm>> -> memref<6400xf32, #tpu.memory_space<hbm>>
      tpu.enqueue_dma source(%dma_start3A_127 : memref<6400xf32, #tpu.memory_space<hbm>>) target(%arg6 : memref<6400xf32, #tpu.memory_space<vmem>>) target_semaphore(%arg15 : memref<!tpu.dma_semaphore, #tpu.memory_space<semaphore_mem>>)
      %dma_wait3A_128 = tpu.memref_slice %arg3[%mul3A_125] : memref<100000xf32, #tpu.memory_space<hbm>> -> memref<6400xf32, #tpu.memory_space<hbm>>
      %dma_wait3A_129 = tpu.memref_slice %arg3[%mul3A_125] : memref<100000xf32, #tpu.memory_space<hbm>> -> memref<6400xf32, #tpu.memory_space<hbm>>
      tpu.wait_dma2 semaphore(%arg15 : memref<!tpu.dma_semaphore, #tpu.memory_space<semaphore_mem>>) src(%dma_wait3A_129 : memref<6400xf32, #tpu.memory_space<hbm>>) dst(%arg6 : memref<6400xf32, #tpu.memory_space<vmem>>)
    } else {
    }
    %eq3A_41 = arith.constant 15 : i32
    %eq3A_42 = arith.cmpi eq, %arg1, %eq3A_41 : i32
    %convert_element_type3A_43 = arith.extui %eq3A_42 : i1 to i32
    %cond3A_44 = arith.constant 0 : i32
    %cond3A_45 = arith.cmpi ne, %convert_element_type3A_43, %cond3A_44 : i32
    scf.if %cond3A_45 {
      %dma_start3A_124 = arith.constant 0 : i32
      %dma_start3A_125 = tpu.memref_slice %arg6[%dma_start3A_124] : memref<6400xf32, #tpu.memory_space<vmem>> -> memref<4000xf32, #tpu.memory_space<vmem>>
      %dma_start3A_126 = arith.constant 96000 : i32
      %dma_start3A_127 = tpu.memref_slice %arg3[%dma_start3A_126] : memref<100000xf32, #tpu.memory_space<hbm>> -> memref<4000xf32, #tpu.memory_space<hbm>>
      %dma_start3A_128 = arith.constant 0 : i32
      %dma_start3A_129 = tpu.memref_slice %arg6[%dma_start3A_128] : memref<6400xf32, #tpu.memory_space<vmem>> -> memref<4000xf32, #tpu.memory_space<vmem>>
      %dma_start3A_130 = arith.constant 96000 : i32
      %dma_start3A_131 = tpu.memref_slice %arg3[%dma_start3A_130] : memref<100000xf32, #tpu.memory_space<hbm>> -> memref<4000xf32, #tpu.memory_space<hbm>>
      tpu.enqueue_dma source(%dma_start3A_131 : memref<4000xf32, #tpu.memory_space<hbm>>) target(%dma_start3A_129 : memref<4000xf32, #tpu.memory_space<vmem>>) target_semaphore(%arg15 : memref<!tpu.dma_semaphore, #tpu.memory_space<semaphore_mem>>)
      %dma_wait3A_132 = arith.constant 0 : i32
      %dma_wait3A_133 = tpu.memref_slice %arg6[%dma_wait3A_132] : memref<6400xf32, #tpu.memory_space<vmem>> -> memref<4000xf32, #tpu.memory_space<vmem>>
      %dma_wait3A_134 = arith.constant 96000 : i32
      %dma_wait3A_135 = tpu.memref_slice %arg3[%dma_wait3A_134] : memref<100000xf32, #tpu.memory_space<hbm>> -> memref<4000xf32, #tpu.memory_space<hbm>>
      %dma_wait3A_136 = arith.constant 0 : i32
      %dma_wait3A_137 = tpu.memref_slice %arg6[%dma_wait3A_136] : memref<6400xf32, #tpu.memory_space<vmem>> -> memref<4000xf32, #tpu.memory_space<vmem>>
      %dma_wait3A_138 = arith.constant 96000 : i32
      %dma_wait3A_139 = tpu.memref_slice %arg3[%dma_wait3A_138] : memref<100000xf32, #tpu.memory_space<hbm>> -> memref<4000xf32, #tpu.memory_space<hbm>>
      tpu.wait_dma2 semaphore(%arg15 : memref<!tpu.dma_semaphore, #tpu.memory_space<semaphore_mem>>) src(%dma_wait3A_139 : memref<4000xf32, #tpu.memory_space<hbm>>) dst(%dma_wait3A_137 : memref<4000xf32, #tpu.memory_space<vmem>>)
    } else {
    }
    %get3A = arith.constant 0 : index
    %get3A_46 = tpu.vector_load %arg9[%get3A] {strides = array<i32>} : memref<16xf32, #tpu.memory_space<vmem>>, vector<16xf32>,
    %iota3A = tpu.iota {dimensions = array<i32: 0>} : vector<16xi32>
    %shift_left3A = arith.constant 1 : i32
    %shift_left3A_47 = vector.broadcast %shift_left3A : i32 to vector<16xi32>
    %shift_left3A_48 = arith.shli %shift_left3A_47, %iota3A : vector<16xi32>
    %shift_left3A_49 = arith.constant 16 : i32
    %shift_left3A_50 = vector.broadcast %shift_left3A_49 : i32 to vector<16xi32>
    %shift_left3A_51 = arith.shli %shift_left3A_48, %shift_left3A_50 : vector<16xi32>
    %broadcast_in_dim3A = arith.constant 0 : i32
    %broadcast_in_dim3A_52 = vector.broadcast %broadcast_in_dim3A : i32 to vector<16xi32>
    %iota3A_53 = tpu.iota {dimensions = array<i32: 0>} : vector<16xi32>
    %eq3A_54 = arith.constant 0 : i32
    %eq3A_55 = vector.broadcast %eq3A_54 : i32 to vector<16xi32>
    %eq3A_56 = arith.cmpi eq, %iota3A_53, %eq3A_55 : vector<16xi32>
    %parallel_loop3A = arith.constant 0 : i32
    %parallel_loop3A_57 = arith.constant 200 : i32
    %parallel_loop3A_58 = arith.constant 1 : i32
    scf.for %parallel_loop3A_124 = %parallel_loop3A to %parallel_loop3A_57 step %parallel_loop3A_58  : i32 {
      %parallel_loop3A_125 = arith.constant 32 : i32
      %parallel_loop3A_126 = arith.muli %parallel_loop3A_124, %parallel_loop3A_125 : i32
      %parallel_loop3A_127 = arith.index_cast %parallel_loop3A_126 : i32 to index
      %parallel_loop3A_128 = tpu.vector_load %arg6[%parallel_loop3A_127] {strides = array<i32>} : memref<6400xf32, #tpu.memory_space<vmem>>, vector<16xf32>,
      %parallel_loop3A_129 = arith.cmpf ole, %parallel_loop3A_128, %get3A_46 : vector<16xf32>
      %parallel_loop3A_130 = arith.constant 16 : i32
      %parallel_loop3A_131 = arith.addi %parallel_loop3A_126, %parallel_loop3A_130 : i32
      %parallel_loop3A_132 = arith.index_cast %parallel_loop3A_131 : i32 to index
      %parallel_loop3A_133 = tpu.vector_load %arg6[%parallel_loop3A_132] {strides = array<i32>} : memref<6400xf32, #tpu.memory_space<vmem>>, vector<16xf32>,
      %parallel_loop3A_134 = arith.cmpf ole, %parallel_loop3A_133, %get3A_46 : vector<16xf32>
      %parallel_loop3A_135 = arith.select %parallel_loop3A_129, %shift_left3A_48, %broadcast_in_dim3A_52 : vector<16xi1>, vector<16xi32>
      %parallel_loop3A_136 = arith.select %parallel_loop3A_134, %shift_left3A_51, %broadcast_in_dim3A_52 : vector<16xi1>, vector<16xi32>
      %parallel_loop3A_137 = arith.ori %parallel_loop3A_135, %parallel_loop3A_136 : vector<16xi32>
      %parallel_loop3A_138 = arith.constant true
      %parallel_loop3A_139 = vector.broadcast %parallel_loop3A_138 : i1 to vector<16xi1>
      %parallel_loop3A_140 = tpu.scan <sum>, %parallel_loop3A_137 masked %parallel_loop3A_139 : vector<16xi32>, vector<16xi1> -> vector<16xi32>
      %parallel_loop3A_141 = vector.extract %parallel_loop3A_140[15] : i32 from vector<16xi32>
      %parallel_loop3A_142 = vector.broadcast %parallel_loop3A_124 : i32 to vector<16xi32>
      %parallel_loop3A_143 = vector.broadcast %parallel_loop3A_141 : i32 to vector<16xi32>
      tpu.vector_store_idx %arg7[%parallel_loop3A_142], %parallel_loop3A_143 masked %eq3A_56 : memref<200xi32, #tpu.memory_space<vmem>>[vector<16xi32>], vector<16xi32>, vector<16xi1>
    } {sc.loop_unroll_factor = 4 : i64, sc.parallel_access}
    %mul3A_59 = arith.constant 200 : i32
    %mul3A_60 = arith.muli %arg1, %mul3A_59 : i32
    "tpu.region"() ({
      %run_scoped3A = tpu.sem_alloc : memref<!tpu.dma_semaphore, #tpu.memory_space<semaphore_mem>>
      %dma_start3A_124 = tpu.memref_slice %arg14[%mul3A_60] : memref<3200xi32, #tpu.memory_space<vmem_shared>> -> memref<200xi32, #tpu.memory_space<vmem_shared>>
      %dma_start3A_125 = tpu.memref_slice %arg14[%mul3A_60] : memref<3200xi32, #tpu.memory_space<vmem_shared>> -> memref<200xi32, #tpu.memory_space<vmem_shared>>
      tpu.enqueue_dma source(%arg7 : memref<200xi32, #tpu.memory_space<vmem>>) target(%dma_start3A_125 : memref<200xi32, #tpu.memory_space<vmem_shared>>) target_semaphore(%run_scoped3A : memref<!tpu.dma_semaphore, #tpu.memory_space<semaphore_mem>>)
      %dma_wait3A_126 = tpu.memref_slice %arg14[%mul3A_60] : memref<3200xi32, #tpu.memory_space<vmem_shared>> -> memref<200xi32, #tpu.memory_space<vmem_shared>>
      %dma_wait3A_127 = tpu.memref_slice %arg14[%mul3A_60] : memref<3200xi32, #tpu.memory_space<vmem_shared>> -> memref<200xi32, #tpu.memory_space<vmem_shared>>
      tpu.wait_dma2 semaphore(%run_scoped3A : memref<!tpu.dma_semaphore, #tpu.memory_space<semaphore_mem>>) src(%arg7 : memref<200xi32, #tpu.memory_space<vmem>>) dst(%dma_wait3A_127 : memref<200xi32, #tpu.memory_space<vmem_shared>>)
      tpu.yield
    }) : () -> ()
    %barrier3A = arith.constant 0 : index
    tpu.barrier barrier_id(%barrier3A)
    "tpu.region"() ({
      %run_scoped3A = tpu.sem_alloc : memref<!tpu.dma_semaphore, #tpu.memory_space<semaphore_mem>>
      tpu.enqueue_dma source(%arg14 : memref<3200xi32, #tpu.memory_space<vmem_shared>>) target(%arg8 : memref<3200xi32, #tpu.memory_space<vmem>>) target_semaphore(%run_scoped3A : memref<!tpu.dma_semaphore, #tpu.memory_space<semaphore_mem>>)
      tpu.wait_dma2 semaphore(%run_scoped3A : memref<!tpu.dma_semaphore, #tpu.memory_space<semaphore_mem>>) src(%arg14 : memref<3200xi32, #tpu.memory_space<vmem_shared>>) dst(%arg8 : memref<3200xi32, #tpu.memory_space<vmem>>)
      tpu.yield
    }) : () -> ()
    %dma_wait3A = tpu.memref_slice %arg2[%select_n3A, %mul3A_32] : memref<8x262144xi32, #tpu.memory_space<hbm>> -> memref<1x16384xi32, #tpu.memory_space<hbm>>
    %dma_wait3A_61 = tpu.memref_slice %arg2[%select_n3A, %mul3A_32] : memref<8x262144xi32, #tpu.memory_space<hbm>> -> memref<1x16384xi32, #tpu.memory_space<hbm>>
    tpu.wait_dma2 semaphore(%arg16 : memref<!tpu.dma_semaphore, #tpu.memory_space<semaphore_mem>>) src(%dma_wait3A_61 : memref<1x16384xi32, #tpu.memory_space<hbm>>) dst(%arg10 : memref<1x16384xi32, #tpu.memory_space<vmem>>)
    %parallel_loop3A_62 = arith.constant 0 : i32
    %parallel_loop3A_63 = arith.constant 16384 : i32
    %parallel_loop3A_64 = arith.constant 16 : i32
    scf.for %parallel_loop3A_124 = %parallel_loop3A_62 to %parallel_loop3A_63 step %parallel_loop3A_64  : i32 {
      %parallel_loop3A_125 = arith.constant 0 : i32
      %parallel_loop3A_126 = arith.index_cast %parallel_loop3A_125 : i32 to index
      %parallel_loop3A_127 = arith.index_cast %parallel_loop3A_124 : i32 to index
      %parallel_loop3A_128 = tpu.vector_load %arg10[%parallel_loop3A_126, %parallel_loop3A_127] {strides = array<i32>} : memref<1x16384xi32, #tpu.memory_space<vmem>>, vector<16xi32>,
      %parallel_loop3A_129 = arith.constant 5 : i32
      %parallel_loop3A_130 = vector.broadcast %parallel_loop3A_129 : i32 to vector<16xi32>
      %parallel_loop3A_131 = arith.shrui %parallel_loop3A_128, %parallel_loop3A_130 : vector<16xi32>
      %parallel_loop3A_132 = tpu.vector_load_idx %arg8[%parallel_loop3A_131] : memref<3200xi32, #tpu.memory_space<vmem>>[vector<16xi32>], vector<16xi32>,
      %parallel_loop3A_133 = arith.constant 31 : i32
      %parallel_loop3A_134 = vector.broadcast %parallel_loop3A_133 : i32 to vector<16xi32>
      %parallel_loop3A_135 = arith.andi %parallel_loop3A_128, %parallel_loop3A_134 : vector<16xi32>
      %parallel_loop3A_136 = arith.shrui %parallel_loop3A_132, %parallel_loop3A_135 : vector<16xi32>
      %parallel_loop3A_137 = arith.constant 1 : i32
      %parallel_loop3A_138 = vector.broadcast %parallel_loop3A_137 : i32 to vector<16xi32>
      %parallel_loop3A_139 = arith.andi %parallel_loop3A_136, %parallel_loop3A_138 : vector<16xi32>
      %parallel_loop3A_140 = arith.index_cast %parallel_loop3A_124 : i32 to index
      %parallel_loop3A_141 = tpu.vector_load %arg12[%parallel_loop3A_140] {strides = array<i32>} : memref<16384xi32, #tpu.memory_space<vmem>>, vector<16xi32>,
      tpu.vector_store %arg12[%parallel_loop3A_140], %parallel_loop3A_139 {strides = array<i32>} : memref<16384xi32, #tpu.memory_space<vmem>>, vector<16xi32>,
    } {sc.loop_unroll_factor = 8 : i64, sc.parallel_access}
    %mul3A_65 = arith.constant 262144 : i32
    %mul3A_66 = arith.muli %select_n3A, %mul3A_65 : i32
    %add3A_67 = arith.addi %mul3A_66, %mul3A_32 : i32
    %add3A_68 = arith.constant 0 : i32
    %add3A_69 = arith.addi %add3A_67, %add3A_68 : i32
    %dma_start3A_70 = tpu.memref_slice %arg5[%add3A_69] : memref<2097152xi32, #tpu.memory_space<hbm>> -> memref<16384xi32, #tpu.memory_space<hbm>>
    %dma_start3A_71 = tpu.memref_slice %arg5[%add3A_69] : memref<2097152xi32, #tpu.memory_space<hbm>> -> memref<16384xi32, #tpu.memory_space<hbm>>
    tpu.enqueue_dma source(%arg12 : memref<16384xi32, #tpu.memory_space<vmem>>) target(%dma_start3A_71 : memref<16384xi32, #tpu.memory_space<hbm>>) target_semaphore(%arg18 : memref<!tpu.dma_semaphore, #tpu.memory_space<semaphore_mem>>)
    %add3A_72 = arith.constant 32768 : i32
    %add3A_73 = arith.addi %mul3A_32, %add3A_72 : i32
    %dma_start3A_74 = tpu.memref_slice %arg2[%select_n3A, %add3A_73] : memref<8x262144xi32, #tpu.memory_space<hbm>> -> memref<1x16384xi32, #tpu.memory_space<hbm>>
    %dma_start3A_75 = tpu.memref_slice %arg2[%select_n3A, %add3A_73] : memref<8x262144xi32, #tpu.memory_space<hbm>> -> memref<1x16384xi32, #tpu.memory_space<hbm>>
    tpu.enqueue_dma source(%dma_start3A_75 : memref<1x16384xi32, #tpu.memory_space<hbm>>) target(%arg10 : memref<1x16384xi32, #tpu.memory_space<vmem>>) target_semaphore(%arg16 : memref<!tpu.dma_semaphore, #tpu.memory_space<semaphore_mem>>)
    %dma_wait3A_76 = tpu.memref_slice %arg2[%select_n3A, %add3A_35] : memref<8x262144xi32, #tpu.memory_space<hbm>> -> memref<1x16384xi32, #tpu.memory_space<hbm>>
    %dma_wait3A_77 = tpu.memref_slice %arg2[%select_n3A, %add3A_35] : memref<8x262144xi32, #tpu.memory_space<hbm>> -> memref<1x16384xi32, #tpu.memory_space<hbm>>
    tpu.wait_dma2 semaphore(%arg17 : memref<!tpu.dma_semaphore, #tpu.memory_space<semaphore_mem>>) src(%dma_wait3A_77 : memref<1x16384xi32, #tpu.memory_space<hbm>>) dst(%arg11 : memref<1x16384xi32, #tpu.memory_space<vmem>>)
    %parallel_loop3A_78 = arith.constant 0 : i32
    %parallel_loop3A_79 = arith.constant 16384 : i32
    %parallel_loop3A_80 = arith.constant 16 : i32
    scf.for %parallel_loop3A_124 = %parallel_loop3A_78 to %parallel_loop3A_79 step %parallel_loop3A_80  : i32 {
      %parallel_loop3A_125 = arith.constant 0 : i32
      %parallel_loop3A_126 = arith.index_cast %parallel_loop3A_125 : i32 to index
      %parallel_loop3A_127 = arith.index_cast %parallel_loop3A_124 : i32 to index
      %parallel_loop3A_128 = tpu.vector_load %arg11[%parallel_loop3A_126, %parallel_loop3A_127] {strides = array<i32>} : memref<1x16384xi32, #tpu.memory_space<vmem>>, vector<16xi32>,
      %parallel_loop3A_129 = arith.constant 5 : i32
      %parallel_loop3A_130 = vector.broadcast %parallel_loop3A_129 : i32 to vector<16xi32>
      %parallel_loop3A_131 = arith.shrui %parallel_loop3A_128, %parallel_loop3A_130 : vector<16xi32>
      %parallel_loop3A_132 = tpu.vector_load_idx %arg8[%parallel_loop3A_131] : memref<3200xi32, #tpu.memory_space<vmem>>[vector<16xi32>], vector<16xi32>,
      %parallel_loop3A_133 = arith.constant 31 : i32
      %parallel_loop3A_134 = vector.broadcast %parallel_loop3A_133 : i32 to vector<16xi32>
      %parallel_loop3A_135 = arith.andi %parallel_loop3A_128, %parallel_loop3A_134 : vector<16xi32>
      %parallel_loop3A_136 = arith.shrui %parallel_loop3A_132, %parallel_loop3A_135 : vector<16xi32>
      %parallel_loop3A_137 = arith.constant 1 : i32
      %parallel_loop3A_138 = vector.broadcast %parallel_loop3A_137 : i32 to vector<16xi32>
      %parallel_loop3A_139 = arith.andi %parallel_loop3A_136, %parallel_loop3A_138 : vector<16xi32>
      %parallel_loop3A_140 = arith.index_cast %parallel_loop3A_124 : i32 to index
      %parallel_loop3A_141 = tpu.vector_load %arg13[%parallel_loop3A_140] {strides = array<i32>} : memref<16384xi32, #tpu.memory_space<vmem>>, vector<16xi32>,
      tpu.vector_store %arg13[%parallel_loop3A_140], %parallel_loop3A_139 {strides = array<i32>} : memref<16384xi32, #tpu.memory_space<vmem>>, vector<16xi32>,
    } {sc.loop_unroll_factor = 8 : i64, sc.parallel_access}
    %mul3A_81 = arith.constant 262144 : i32
    %mul3A_82 = arith.muli %select_n3A, %mul3A_81 : i32
    %add3A_83 = arith.addi %mul3A_82, %mul3A_32 : i32
    %add3A_84 = arith.constant 16384 : i32
    %add3A_85 = arith.addi %add3A_83, %add3A_84 : i32
    %dma_start3A_86 = tpu.memref_slice %arg5[%add3A_85] : memref<2097152xi32, #tpu.memory_space<hbm>> -> memref<16384xi32, #tpu.memory_space<hbm>>
    %dma_start3A_87 = tpu.memref_slice %arg5[%add3A_85] : memref<2097152xi32, #tpu.memory_space<hbm>> -> memref<16384xi32, #tpu.memory_space<hbm>>
    tpu.enqueue_dma source(%arg13 : memref<16384xi32, #tpu.memory_space<vmem>>) target(%dma_start3A_87 : memref<16384xi32, #tpu.memory_space<hbm>>) target_semaphore(%arg19 : memref<!tpu.dma_semaphore, #tpu.memory_space<semaphore_mem>>)
    %add3A_88 = arith.constant 49152 : i32
    %add3A_89 = arith.addi %mul3A_32, %add3A_88 : i32
    %dma_start3A_90 = tpu.memref_slice %arg2[%select_n3A, %add3A_89] : memref<8x262144xi32, #tpu.memory_space<hbm>> -> memref<1x16384xi32, #tpu.memory_space<hbm>>
    %dma_start3A_91 = tpu.memref_slice %arg2[%select_n3A, %add3A_89] : memref<8x262144xi32, #tpu.memory_space<hbm>> -> memref<1x16384xi32, #tpu.memory_space<hbm>>
    tpu.enqueue_dma source(%dma_start3A_91 : memref<1x16384xi32, #tpu.memory_space<hbm>>) target(%arg11 : memref<1x16384xi32, #tpu.memory_space<vmem>>) target_semaphore(%arg17 : memref<!tpu.dma_semaphore, #tpu.memory_space<semaphore_mem>>)
    %dma_wait3A_92 = tpu.memref_slice %arg2[%select_n3A, %add3A_73] : memref<8x262144xi32, #tpu.memory_space<hbm>> -> memref<1x16384xi32, #tpu.memory_space<hbm>>
    %dma_wait3A_93 = tpu.memref_slice %arg2[%select_n3A, %add3A_73] : memref<8x262144xi32, #tpu.memory_space<hbm>> -> memref<1x16384xi32, #tpu.memory_space<hbm>>
    tpu.wait_dma2 semaphore(%arg16 : memref<!tpu.dma_semaphore, #tpu.memory_space<semaphore_mem>>) src(%dma_wait3A_93 : memref<1x16384xi32, #tpu.memory_space<hbm>>) dst(%arg10 : memref<1x16384xi32, #tpu.memory_space<vmem>>)
    %dma_wait3A_94 = tpu.memref_slice %arg5[%add3A_69] : memref<2097152xi32, #tpu.memory_space<hbm>> -> memref<16384xi32, #tpu.memory_space<hbm>>
    %dma_wait3A_95 = tpu.memref_slice %arg5[%add3A_69] : memref<2097152xi32, #tpu.memory_space<hbm>> -> memref<16384xi32, #tpu.memory_space<hbm>>
    tpu.wait_dma2 semaphore(%arg18 : memref<!tpu.dma_semaphore, #tpu.memory_space<semaphore_mem>>) src(%arg12 : memref<16384xi32, #tpu.memory_space<vmem>>) dst(%dma_wait3A_95 : memref<16384xi32, #tpu.memory_space<hbm>>)
    %parallel_loop3A_96 = arith.constant 0 : i32
    %parallel_loop3A_97 = arith.constant 16384 : i32
    %parallel_loop3A_98 = arith.constant 16 : i32
    scf.for %parallel_loop3A_124 = %parallel_loop3A_96 to %parallel_loop3A_97 step %parallel_loop3A_98  : i32 {
      %parallel_loop3A_125 = arith.constant 0 : i32
      %parallel_loop3A_126 = arith.index_cast %parallel_loop3A_125 : i32 to index
      %parallel_loop3A_127 = arith.index_cast %parallel_loop3A_124 : i32 to index
      %parallel_loop3A_128 = tpu.vector_load %arg10[%parallel_loop3A_126, %parallel_loop3A_127] {strides = array<i32>} : memref<1x16384xi32, #tpu.memory_space<vmem>>, vector<16xi32>,
      %parallel_loop3A_129 = arith.constant 5 : i32
      %parallel_loop3A_130 = vector.broadcast %parallel_loop3A_129 : i32 to vector<16xi32>
      %parallel_loop3A_131 = arith.shrui %parallel_loop3A_128, %parallel_loop3A_130 : vector<16xi32>
      %parallel_loop3A_132 = tpu.vector_load_idx %arg8[%parallel_loop3A_131] : memref<3200xi32, #tpu.memory_space<vmem>>[vector<16xi32>], vector<16xi32>,
      %parallel_loop3A_133 = arith.constant 31 : i32
      %parallel_loop3A_134 = vector.broadcast %parallel_loop3A_133 : i32 to vector<16xi32>
      %parallel_loop3A_135 = arith.andi %parallel_loop3A_128, %parallel_loop3A_134 : vector<16xi32>
      %parallel_loop3A_136 = arith.shrui %parallel_loop3A_132, %parallel_loop3A_135 : vector<16xi32>
      %parallel_loop3A_137 = arith.constant 1 : i32
      %parallel_loop3A_138 = vector.broadcast %parallel_loop3A_137 : i32 to vector<16xi32>
      %parallel_loop3A_139 = arith.andi %parallel_loop3A_136, %parallel_loop3A_138 : vector<16xi32>
      %parallel_loop3A_140 = arith.index_cast %parallel_loop3A_124 : i32 to index
      %parallel_loop3A_141 = tpu.vector_load %arg12[%parallel_loop3A_140] {strides = array<i32>} : memref<16384xi32, #tpu.memory_space<vmem>>, vector<16xi32>,
      tpu.vector_store %arg12[%parallel_loop3A_140], %parallel_loop3A_139 {strides = array<i32>} : memref<16384xi32, #tpu.memory_space<vmem>>, vector<16xi32>,
    } {sc.loop_unroll_factor = 8 : i64, sc.parallel_access}
    %mul3A_99 = arith.constant 262144 : i32
    %mul3A_100 = arith.muli %select_n3A, %mul3A_99 : i32
    %add3A_101 = arith.addi %mul3A_100, %mul3A_32 : i32
    %add3A_102 = arith.constant 32768 : i32
    %add3A_103 = arith.addi %add3A_101, %add3A_102 : i32
    %dma_start3A_104 = tpu.memref_slice %arg5[%add3A_103] : memref<2097152xi32, #tpu.memory_space<hbm>> -> memref<16384xi32, #tpu.memory_space<hbm>>
    %dma_start3A_105 = tpu.memref_slice %arg5[%add3A_103] : memref<2097152xi32, #tpu.memory_space<hbm>> -> memref<16384xi32, #tpu.memory_space<hbm>>
    tpu.enqueue_dma source(%arg12 : memref<16384xi32, #tpu.memory_space<vmem>>) target(%dma_start3A_105 : memref<16384xi32, #tpu.memory_space<hbm>>) target_semaphore(%arg18 : memref<!tpu.dma_semaphore, #tpu.memory_space<semaphore_mem>>)
    %dma_wait3A_106 = tpu.memref_slice %arg2[%select_n3A, %add3A_89] : memref<8x262144xi32, #tpu.memory_space<hbm>> -> memref<1x16384xi32, #tpu.memory_space<hbm>>
    %dma_wait3A_107 = tpu.memref_slice %arg2[%select_n3A, %add3A_89] : memref<8x262144xi32, #tpu.memory_space<hbm>> -> memref<1x16384xi32, #tpu.memory_space<hbm>>
    tpu.wait_dma2 semaphore(%arg17 : memref<!tpu.dma_semaphore, #tpu.memory_space<semaphore_mem>>) src(%dma_wait3A_107 : memref<1x16384xi32, #tpu.memory_space<hbm>>) dst(%arg11 : memref<1x16384xi32, #tpu.memory_space<vmem>>)
    %dma_wait3A_108 = tpu.memref_slice %arg5[%add3A_85] : memref<2097152xi32, #tpu.memory_space<hbm>> -> memref<16384xi32, #tpu.memory_space<hbm>>
    %dma_wait3A_109 = tpu.memref_slice %arg5[%add3A_85] : memref<2097152xi32, #tpu.memory_space<hbm>> -> memref<16384xi32, #tpu.memory_space<hbm>>
    tpu.wait_dma2 semaphore(%arg19 : memref<!tpu.dma_semaphore, #tpu.memory_space<semaphore_mem>>) src(%arg13 : memref<16384xi32, #tpu.memory_space<vmem>>) dst(%dma_wait3A_109 : memref<16384xi32, #tpu.memory_space<hbm>>)
    %parallel_loop3A_110 = arith.constant 0 : i32
    %parallel_loop3A_111 = arith.constant 16384 : i32
    %parallel_loop3A_112 = arith.constant 16 : i32
    scf.for %parallel_loop3A_124 = %parallel_loop3A_110 to %parallel_loop3A_111 step %parallel_loop3A_112  : i32 {
      %parallel_loop3A_125 = arith.constant 0 : i32
      %parallel_loop3A_126 = arith.index_cast %parallel_loop3A_125 : i32 to index
      %parallel_loop3A_127 = arith.index_cast %parallel_loop3A_124 : i32 to index
      %parallel_loop3A_128 = tpu.vector_load %arg11[%parallel_loop3A_126, %parallel_loop3A_127] {strides = array<i32>} : memref<1x16384xi32, #tpu.memory_space<vmem>>, vector<16xi32>,
      %parallel_loop3A_129 = arith.constant 5 : i32
      %parallel_loop3A_130 = vector.broadcast %parallel_loop3A_129 : i32 to vector<16xi32>
      %parallel_loop3A_131 = arith.shrui %parallel_loop3A_128, %parallel_loop3A_130 : vector<16xi32>
      %parallel_loop3A_132 = tpu.vector_load_idx %arg8[%parallel_loop3A_131] : memref<3200xi32, #tpu.memory_space<vmem>>[vector<16xi32>], vector<16xi32>,
      %parallel_loop3A_133 = arith.constant 31 : i32
      %parallel_loop3A_134 = vector.broadcast %parallel_loop3A_133 : i32 to vector<16xi32>
      %parallel_loop3A_135 = arith.andi %parallel_loop3A_128, %parallel_loop3A_134 : vector<16xi32>
      %parallel_loop3A_136 = arith.shrui %parallel_loop3A_132, %parallel_loop3A_135 : vector<16xi32>
      %parallel_loop3A_137 = arith.constant 1 : i32
      %parallel_loop3A_138 = vector.broadcast %parallel_loop3A_137 : i32 to vector<16xi32>
      %parallel_loop3A_139 = arith.andi %parallel_loop3A_136, %parallel_loop3A_138 : vector<16xi32>
      %parallel_loop3A_140 = arith.index_cast %parallel_loop3A_124 : i32 to index
      %parallel_loop3A_141 = tpu.vector_load %arg13[%parallel_loop3A_140] {strides = array<i32>} : memref<16384xi32, #tpu.memory_space<vmem>>, vector<16xi32>,
      tpu.vector_store %arg13[%parallel_loop3A_140], %parallel_loop3A_139 {strides = array<i32>} : memref<16384xi32, #tpu.memory_space<vmem>>, vector<16xi32>,
    } {sc.loop_unroll_factor = 8 : i64, sc.parallel_access}
    %mul3A_113 = arith.constant 262144 : i32
    %mul3A_114 = arith.muli %select_n3A, %mul3A_113 : i32
    %add3A_115 = arith.addi %mul3A_114, %mul3A_32 : i32
    %add3A_116 = arith.constant 49152 : i32
    %add3A_117 = arith.addi %add3A_115, %add3A_116 : i32
    %dma_start3A_118 = tpu.memref_slice %arg5[%add3A_117] : memref<2097152xi32, #tpu.memory_space<hbm>> -> memref<16384xi32, #tpu.memory_space<hbm>>
    %dma_start3A_119 = tpu.memref_slice %arg5[%add3A_117] : memref<2097152xi32, #tpu.memory_space<hbm>> -> memref<16384xi32, #tpu.memory_space<hbm>>
    tpu.enqueue_dma source(%arg13 : memref<16384xi32, #tpu.memory_space<vmem>>) target(%dma_start3A_119 : memref<16384xi32, #tpu.memory_space<hbm>>) target_semaphore(%arg19 : memref<!tpu.dma_semaphore, #tpu.memory_space<semaphore_mem>>)
    %dma_wait3A_120 = tpu.memref_slice %arg5[%add3A_103] : memref<2097152xi32, #tpu.memory_space<hbm>> -> memref<16384xi32, #tpu.memory_space<hbm>>
    %dma_wait3A_121 = tpu.memref_slice %arg5[%add3A_103] : memref<2097152xi32, #tpu.memory_space<hbm>> -> memref<16384xi32, #tpu.memory_space<hbm>>
    tpu.wait_dma2 semaphore(%arg18 : memref<!tpu.dma_semaphore, #tpu.memory_space<semaphore_mem>>) src(%arg12 : memref<16384xi32, #tpu.memory_space<vmem>>) dst(%dma_wait3A_121 : memref<16384xi32, #tpu.memory_space<hbm>>)
    %dma_wait3A_122 = tpu.memref_slice %arg5[%add3A_117] : memref<2097152xi32, #tpu.memory_space<hbm>> -> memref<16384xi32, #tpu.memory_space<hbm>>
    %dma_wait3A_123 = tpu.memref_slice %arg5[%add3A_117] : memref<2097152xi32, #tpu.memory_space<hbm>> -> memref<16384xi32, #tpu.memory_space<hbm>>
    tpu.wait_dma2 semaphore(%arg19 : memref<!tpu.dma_semaphore, #tpu.memory_space<semaphore_mem>>) src(%arg13 : memref<16384xi32, #tpu.memory_space<vmem>>) dst(%dma_wait3A_123 : memref<16384xi32, #tpu.memory_space<hbm>>)
    return
  }
}

</mosaic_0001>

<sc_bundles>
// kernel: kernel.3.cloned.1.call-start
scs
__scs_entry_jumppad:
0x0: {  	(pc) =	sbr.rel $0x88, $3  }
0x1: {  	(tag) =	ssettag $0x0;
	lr =	simm.s32 $0x1  }
0x2: {  	[smem:$0x3F9E] =	sst lr;
	_ =	strace $0xD0000000  }
0x3: {  	_ = 	snop  }
0x4: {  	_ = 	snop  }
0x5: {  	_ = 	snop  }
0x6: {  	_ = 	snop  }
0x7: {  	_ = 	snop  }
__scs_overlays_trampoline_lowered:
0x8: {  	[smem:$0x3FAD] =	sst s0  }
0x9: {  	[smem:$0x3FAE] =	sst s1  }
0xa: {  	[smem:$0x3FAF] =	sst s2  }
0xb: {  	[smem:$0x3FB0] =	sst s3  }
0xc: {  	[smem:$0x3FB1] =	sst s4  }
0xd: {  	[smem:$0x3FB2] =	sst s5  }
0xe: {  	[smem:$0x3FB3] =	sst s6  }
0xf: {  	[smem:$0x3FB4] =	sst s7  }
0x10: {  	[smem:$0x3FB5] =	sst s8  }
0x11: {  	[smem:$0x3FB6] =	sst s9;
	s0 =	simm.s32 @!p0 $0x0  }
0x12: {  	s1 =	sld [smem:$0x3F9C];
	s0 =	simm.s32 @p0 $0x1  }
0x13: {  	[smem:$0x3FB7] =	sst s0;
	s0 =	simm.s32 @!p1 $0x0  }
0x14: {  	s2 =	sld [smem:$0x3F9B];
	s0 =	simm.s32 @p1 $0x1  }
0x15: {  	[smem:$0x3FB8] =	sst s0;
	s0 =	simm.s32 @!p2 $0x0  }
0x16: {  	s3 =	sld [smem:$0x3FDB];
	s0 =	simm.s32 @p2 $0x1  }
0x17: {  	s4 =	simm.s32 $0x1BF5;
	[smem:$0x3FBA] =	sst s0  }
0x18: {  	s0 =	sld [smem:$0x3F9D];
	_ =	swait.ge [sflag:s4], $0x0  }
0x19: {  	s7 =	sld [smem:$0x3F9E]  }
0x1a: {  	s8 =	sadd.s32 $0xFFFFE003, lr  }
0x1b: {  	s9 =	sadd.s32 $0xFFFFFEF7, lr;
	s5 =	simm.s32 $0xFFFFFFFF;
	p2 =	slt.u32 s8, $0xFFFFF086  }
0x1c: {  	p1 =	slt.u32 s9, $0xF7A;
	s5 =	simm.s32 @!p2 $0x0  }
0x1d: {  	s5 =	simm.s32 @p1 $0x1;
	p0 =	seq.s32 s7, s2  }
0x1e: {  	s7 =	smul.u32 @!p0 $0xF7A, s2;
	p2 =	seq.s32 @!p0 s5, $0x0  }
0x1f: {  	s9 =	smul.u32 $0xF7A, s1;
	s8 =	simm.s32 @!p0 $0x1BF5;
	p2 =	por !p2, p0  }
0x20: {  	[sflag:s8] =	ssyncset.s32 @!p0 $0xFFFFF086;
	s6 =	sadd.s32 @!p0 s3, s7;
	s7 =	simm.s32 @!p0 $0x108  }
0x21: {  	s3 =	sadd.s32 s3, s9;
	s6 =	sadd.s32 @!p0 $0x88, s6;
	s7 =	simm.s32 @p2 $0x1082  }
0x22: {  	[simem:s7], [sflag:s8] =	dma.local @!p0 [hbm:s6], $0xF7A  }
0x23: {  	s9 =	sor.u32 $0xD0000000, s2;
	s6 =	simm.s32 $0x108;
	_ =	swait.ge @!p0 [sflag:s8], $0x0  }
0x24: {  	s3 =	sadd.s32 $0x88, s3;
	s6 =	simm.s32 @!p1 $0x1082;
	[sflag:s4] =	ssyncset.s32 $0xFFFFF086  }
0x25: {  	[simem:s6], [sflag:s4] =	dma.local [hbm:s3], $0xF7A  }
0x26: {  	[smem:$0x3F9E] =	sst s1;
	(tag) =	ssettag s2;
	_ =	strace s9  }
0x27: {  	s1 =	sld [smem:$0x3FAE]  }
0x28: {  	s2 =	sld [smem:$0x3FAF]  }
0x29: {  	s4 =	sld [smem:$0x3FB1]  }
0x2a: {  	p0 =	seq.s32 s5, $0x0;
	s5 =	sld [smem:$0x3FB2]  }
0x2b: {  	s6 =	sld [smem:$0x3FB3]  }
0x2c: {  	s7 =	sld [smem:$0x3FB4]  }
0x2d: {  	s3 =	simm.s32 $0x108;
	s8 =	sld [smem:$0x3FB5]  }
0x2e: {  	s3 =	simm.s32 @!p0 $0x1082;
	s9 =	sld [smem:$0x3FB6]  }
0x2f: {  	lr =	sadd.s32 s0, s3;
	s0 =	sld [smem:$0x3FAD]  }
0x30: {  	s3 =	sld [smem:$0x3FB0]  }
0x31: {  	[smem:$0x3FB9] =	sst s10  }
0x32: {  	s10 =	sld [smem:$0x3FB7];
	_ =	sdelay $0x3  }
0x33: {  	p0 =	seq.s32 s10, $0x1;
	s10 =	sld [smem:$0x3FB9];
	_ =	sdelay $0x3  }
0x34: {  	[smem:$0x3FB9] =	sst s10  }
0x35: {  	s10 =	sld [smem:$0x3FB8];
	_ =	sdelay $0x3  }
0x36: {  	p1 =	seq.s32 s10, $0x1;
	s10 =	sld [smem:$0x3FB9];
	_ =	sdelay $0x3  }
0x37: {  	[smem:$0x3FB9] =	sst s10  }
0x38: {  	s10 =	sld [smem:$0x3FBA]  }
0x39: {  	_ = 	snop;
	(pc) =	sbr.ind lr, $3  }
0x3a: {  	_ = 	snop  }
0x3b: {  	_ = 	snop  }
0x3c: {  	p2 =	seq.s32 s10, $0x1;
	s10 =	sld [smem:$0x3FB9]  }
0x3d: {  	_ =	shalt  }
0x3e: {  	_ =	shalt  }
0x3f: {  	_ =	shalt  }
0x40: {  	_ =	shalt  }
0x41: {  	_ =	shalt  }
0x42: {  	_ =	shalt  }
0x43: {  	_ =	shalt  }
0x44: {  	_ =	shalt  }
0x45: {  	_ =	shalt  }
0x46: {  	_ =	shalt  }
0x47: {  	_ =	shalt  }
0x48: {  	_ =	shalt  }
0x49: {  	_ =	shalt  }
0x4a: {  	_ =	shalt  }
0x4b: {  	_ =	shalt  }
0x4c: {  	_ =	shalt  }
0x4d: {  	_ =	shalt  }
0x4e: {  	_ =	shalt  }
0x4f: {  	_ =	shalt  }
0x50: {  	_ =	shalt  }
0x51: {  	_ =	shalt  }
0x52: {  	_ =	shalt  }
0x53: {  	_ =	shalt  }
0x54: {  	_ =	shalt  }
0x55: {  	_ =	shalt  }
0x56: {  	_ =	shalt  }
0x57: {  	_ =	shalt  }
0x58: {  	_ =	shalt  }
0x59: {  	_ =	shalt  }
0x5a: {  	_ =	shalt  }
0x5b: {  	_ =	shalt  }
0x5c: {  	_ =	shalt  }
0x5d: {  	_ =	shalt  }
0x5e: {  	_ =	shalt  }
0x5f: {  	_ =	shalt  }
0x60: {  	_ =	shalt  }
0x61: {  	_ =	shalt  }
0x62: {  	_ =	shalt  }
0x63: {  	_ =	shalt  }
0x64: {  	_ =	shalt  }
0x65: {  	_ =	shalt  }
0x66: {  	_ =	shalt  }
0x67: {  	_ =	shalt  }
0x68: {  	_ =	shalt  }
0x69: {  	_ =	shalt  }
0x6a: {  	_ =	shalt  }
0x6b: {  	_ =	shalt  }
0x6c: {  	_ =	shalt  }
0x6d: {  	_ =	shalt  }
0x6e: {  	_ =	shalt  }
0x6f: {  	_ =	shalt  }
0x70: {  	_ =	shalt  }
0x71: {  	_ =	shalt  }
0x72: {  	_ =	shalt  }
0x73: {  	_ =	shalt  }
0x74: {  	_ =	shalt  }
0x75: {  	_ =	shalt  }
0x76: {  	_ =	shalt  }
0x77: {  	_ =	shalt  }
0x78: {  	_ =	shalt  }
0x79: {  	_ =	shalt  }
0x7a: {  	_ =	shalt  }
0x7b: {  	_ =	shalt  }
0x7c: {  	_ =	shalt  }
0x7d: {  	_ =	shalt  }
0x7e: {  	_ =	shalt  }
0x7f: {  	_ =	shalt  }
0x80: {  	_ =	shalt  }
0x81: {  	_ =	shalt  }
0x82: {  	_ =	shalt  }
0x83: {  	_ =	shalt  }
0x84: {  	_ =	shalt  }
0x85: {  	_ =	shalt  }
0x86: {  	_ =	shalt  }
0x87: {  	_ =	shalt  }
.Lfunc_end0:
.L_simem_size_0:
called_computation_lowered:
.L_overlay_start_0:
0x88: {  	s2 =	sld [smem:$0x3FD9]  }
0x89: {  	s3 =	sld [smem:$0x3FFE];
	_ =	sdelay $0x1  }
0x8a: {  	s1 =	srdreg.scid  }
0x8b: {  	s0 =	sand.u32 $0x1, s1  }
0x8c: {  	s17 =	sshll.u32 s0, $0xA;
	s2 =	sadd.s32 s3, s2  }
0x8d: {  	s2 =	sadd.s32 s2, s17  }
0x8e: {  	[smem:$0x3FC5] =	sst s2  }
0x8f: {  	_ = 	snop  }
0x90: {  	s2 =	sld [smem:$0x3FC9]  }
0x91: {  	s18 =	sld [smem:$0x3FC8]  }
0x92: {  	s4 =	sld [smem:$0x3FD0];
	(tm) =	ssettm $0x1  }
0x93: {  	s5 =	sld [smem:$0x3FFB];
	_ =	sdelay $0x3  }
0x94: {  	_ =	strace s5  }
0x95: {  	s5 =	sld [smem:$0x3FFC];
	_ =	sdelay $0x3  }
0x96: {  	_ =	strace s5  }
0x97: {  	s5 =	sld [smem:$0x3FFD];
	_ =	sdelay $0x3  }
0x98: {  	_ =	strace s5  }
0x99: {  	_ =	strace $0x8FFFFFFF  }
0x9a: {  	s19 =	sld [smem:$0x3FDB];
	_ =	sdelay $0x1  }
0x9b: {  	s6 =	simm.s32 $_scs_section_size  }
0x9c: {  	s7 =	simm.s32 $_size__tile_overlayer_lowered;
	s8 =	simm.s32 $_tile_overlayer_lowered  }
0x9d: {  	s22 =	simm.s32 $0x1BFF;
	s21 =	sshll.u32 s8, $0x1;
	s5 =	sadd.s32 s6, s19  }
0x9e: {  	s9 =	simm.s32 $0x0;
	s20 =	sshll.u32 s7, $0x1;
	s7 =	sadd.s32 s21, s5  }
0x9f: {  	[timem:s9], [sflag:s22] =	dma.local [hbm:s7], s20  }
0xa0: {  	_ =	swait.ge [sflag:s22], s20  }
0xa1: {  	s6 =	ssub.s32 $0x0, s20;
	[sflag:s22] =	ssyncset.done $0x0  }
0xa2: {  	[sflag:s22] =	ssyncadd.s32 s6;
	_ =	sdelay $0x1  }
0xa3: {  	s23 =	simm.s32 $0x1B8B  }
0xa4: {  	_ =	swait.ge [sflag:s23], $0x1  }
0xa5: {  	[sflag:s23] =	ssyncset.done $0x0  }
0xa6: {  	s25 =	simm.s32 $0x1B8E;
	s24 =	sld [smem:$0x3FFE];
	[sflag:s23] =	ssyncadd.s32 $0xFFFFFFFF  }
0xa7: {  	s26 =	simm.s32 $execute0_lowered;
	[smem:$0x3FD2] =	sst s25  }
0xa8: {  	s7 =	sshll.u32 s26, $0x1;
	_ =	strace $0x80000046;
	[dreg:$0x1] =	wrdreg $0xFFFFFFFF  }
0xa9: {  	s28 =	simm.s32 $_size_execute0_lowered;
	s5 =	sadd.s32 s5, s7;
	[dreg:$0x0] =	wrdreg $0x0  }
0xaa: {  	s7 =	sshll.u32 s28, $0x1;
	[dreg:$0x2] =	wrdreg s5  }
0xab: {  	[dreg:$0x3] =	wrdreg s7  }
0xac: {  	[dreg:$0x4] =	wrdreg $0xC0  }
0xad: {  	_ =	task [dreg:s9], $0x5FFFF  }
0xae: {  	[dreg:$0x1] =	wrdreg $0xFFFFFFFF  }
0xaf: {  	[dreg:$0x0] =	wrdreg $0x60  }
0xb0: {  	[dreg:$0x2] =	wrdreg s2  }
0xb1: {  	[dreg:$0x3] =	wrdreg s18  }
0xb2: {  	[dreg:$0x4] =	wrdreg s24  }
0xb3: {  	[dreg:$0x5] =	wrdreg s4  }
0xb4: {  	[dreg:$0x6] =	wrdreg $0x127000  }
0xb5: {  	[dreg:$0x7] =	wrdreg $0x9  }
0xb6: {  	_ =	task.clear_ibuf [dreg:s9], $0x8FFFF;
	_ =	strace $0x90000046  }
0xb7: {  	s29 =	simm.s32 $0x9;
	_ =	strace $0x80000048  }
0xb8: {  	_ =	swait.ge [sflag:s29], $0x1  }
0xb9: {  	[sflag:s29] =	ssyncadd.s32 $0xFFFFFFFF  }
0xba: {  	_ =	strace $0x90000048  }
0xbb: {  	_ =	sfence  }
0xbc: {  	s30 =	sld [smem:$0x0];
	_ =	sdelay $0x2  }
0xbd: {  	s31 =	sshll.u32 s1, $0xD;
	s1 =	sshrl.u32 s1, $0x2  }
0xbe: {  	s3 =	sand.u32 $0x4000, s31;
	s1 =	sadd.s32 s1, s30  }
0xbf: {  	s0 =	sor.u32 s3, s0;
	s1 =	sshll.u32 s1, $0x11  }
0xc0: {  	s0 =	sor.u32 s1, s0  }
0xc1: {  	s0 =	sadd.s32 $0x8F2B, s0  }
0xc2: {  	[sflag:s0] =	ssyncadd.remote.s32 $0x1  }
0xc3: {  	_ =	sfence.sel $0xFFFF  }
0xc4: {  	[dreg:$0x0] =	wrdreg $0xFFFFFFFF;
	(pc) =	sbr.abs _section_cstart, $3  }
0xc5: {  	[dreg:$0x1] =	wrdreg $0xFFFFFFFF  }
0xc6: {  	_ =	task.clear_ibuf [dreg:s9], $0x2FFFF;
	_ =	strace $0x9FFFFFFF  }
0xc7: {  	(tm) =	ssettm $0x7FFFFFFF  }
tec
execute0_lowered:
.L_overlay_start_1:
0x0: {  	(tag) =	ssettag $0x1  }
0x1: {  	s0 =	rddreg [dreg:$0x0]  }
0x2: {  	s1 =	rddreg [dreg:$0x1]  }
0x3: {  	s2 =	rddreg [dreg:$0x2]  }
0x4: {  	s4 =	rddreg [dreg:$0x3]  }
0x5: {  	s11 =	rddreg [dreg:$0x4];
	s3 =	simm.s32 $0x0;
	s17 =	stileid.u32  }
0x6: {  	s5 =	srdreg.scid;
	s18 =	simm.s32 $0x400;
	s19 =	simm.s32 $0x2700  }
0x7: {  	v0 =	vimm.s32 $0x8040201;
	v1 =	vimm.s32 $0x80000000;
	vm0 =	vcmask $0x300;
	s20 =	simm.s32 $0x6700;
	s22 =	simm.s32 $0x6;
	s28 =	simm.s32 $0x3  }
0x8: {  	vm13 =	vcmask $0x704;
	vm1 =	vcmask $0xF00;
	s29 =	simm.s32 $0xE700;
	s30 =	simm.s32 $0x4;
	s31 =	simm.s32 $0x5;
	v1 =	vsel vm0, $0x10000, v1  }
0x9: {  	vm14 =	vcmask $0xB08;
	v2 =	vimm.s32 $0x80402010;
	[smem:$0x7FF] =	sst s3;
	s6 =	sshll.u32 s17, $0x1;
	s5 =	sand.u32 $0x1, s5;
	v1 =	vsel vm13, $0x20000, v1  }
0xa: {  	vm15 =	vcmask $0xF0C;
	vm4 =	vcmask $0x1310;
	s2 =	sadd.s32 $0x400, s2;
	s23 =	sshrl.u32 s17, $0x1;
	s10 =	smul.u32 $0x320, s17;
	v1 =	vsel vm14, $0x40000, v1  }
0xb: {  	vm5 =	vcmask $0x1714;
	vm6 =	vcmask $0x1B18;
	p0 =	seq.s32 s17, $0xF;
	s17 =	simm.s32 $0x80;
	_ =	strace $0x80000047;
	v1 =	vsel vm15, $0x80000, v1  }
0xc: {  	v0 =	vunpack.c.0.s8.s32 v0;
	v2 =	vunpack.c.0.s8.s32 v2;
	s6 =	sand.u32 $0x2, s6;
	[dreg:$0x6] =	wrdreg s2;
	s7 =	sshll.u32 s23, $0x4;
	v1 =	vsel vm4, $0x100000, v1  }
0xd: {  	vm7 =	vcmask $0x1F10;
	vm8 =	vcmask $0x1F1C;
	s25 =	sshll.u32 s23, $0xF;
	s23 =	simm.s32 $0x1900;
	s6 =	sor.u32 s5, s6;
	v1 =	vsel vm5, $0x200000, v1  }
0xe: {  	s5 =	ssub.s32 $0x2, s5;
	v0 =	vnsel vm1, $0x8000, v0;
	s24 =	sadd.s32 s1, s10;
	v2 =	vand.u32 $0xFF, v2;
	s1 =	sadd.s32 $0x2EE0, s1;
	v1 =	vsel vm6, $0x400000, v1  }
0xf: {  	vm9 =	vcmask $0x2320;
	s26 =	sshrl.u32 s10, $0x2;
	s8 =	sshll.u32 s6, $0x10;
	[dreg:$0x8] =	wrdreg s24;
	v0 =	vsel vm7, v2, v0;
	v1 =	vsel vm8, $0x800000, v1  }
0x10: {  	vm10 =	vcmask $0x2724;
	s9 =	sshrl.u32 s5, $0x1;
	s6 =	sshll.u32 s6, $0xD;
	[dreg:$0x9] =	wrdreg s1;
	v0 =	vsel vm9, $0x100, v0;
	v1 =	vsel vm9, $0x1000000, v1  }
0x11: {  	vm11 =	vcmask $0x2B28;
	s24 =	simm.s32 $0x1A00;
	s7 =	sor.u32 s7, s8;
	s16 =	ssub.s32 s5, s9;
	v0 =	vsel vm10, $0x200, v0;
	v1 =	vsel vm10, $0x2000000, v1  }
0x12: {  	vm12 =	vcmask $0x2F2C;
	s9 =	sadd.s32 s26, s11;
	s26 =	simm.s32 $0xA700;
	s5 =	sadd.s32 s0, s7;
	v0 =	vsel vm11, $0x400, v0;
	v1 =	vsel vm11, $0x4000000, v1  }
0x13: {  	vm13 =	vcmask $0x3330;
	s16 =	smax.u32 s16, $0x1;
	s0 =	sadd.s32 $0x4000, s5;
	s11 =	sadd.s32 $0x8000, s5;
	v0 =	vsel vm12, $0x800, v0;
	v1 =	vsel vm12, $0x8000000, v1  }
0x14: {  	vm14 =	vcmask $0x3734;
	s13 =	sadd.s32 $0xC000, s5;
	[dreg:$0x7] =	wrdreg s0;
	s0 =	sor.u32 s25, s6;
	v0 =	vsel vm13, $0x1000, v0;
	v1 =	vsel vm13, $0x10000000, v1  }
0x15: {  	vm15 =	vcmask $0x3B38;
	s25 =	simm.s32 $0x2;
	s10 =	sadd.s32 s4, s0;
	s0 =	simm.s32 $0x0;
	v0 =	vsel vm14, $0x2000, v0;
	v1 =	vsel vm14, $0x20000000, v1  }
0x16: {  	s12 =	sadd.s32 $0x800, s10;
	s14 =	sadd.s32 $0x1000, s10;
	s15 =	sadd.s32 $0x1800, s10;
	v0 =	vsel vm15, $0x4000, v0;
	v1 =	vsel vm15, $0x40000000, v1  }
.LBB2_1:
0x17: {  	[tilespmem:s19], [sflag:$0x2] =	stream.strided.gather [hbm4b:s5+s17], $0x4000, s18, s17, $0x38;
	[tilespmem:$0x127C8] =	vst v63  }
0x18: {  	s1 =	rddreg [dreg:$0x7]  }
0x19: {  	[tilespmem:s20], [sflag:$0x3] =	stream.strided.gather [hbm4b:s1+s17], $0x4000, s18, s17, $0x38;
	[tilespmem:$0x127C8] =	vst v63  }
0x1a: {  	s7 =	rddreg [dreg:$0x6];
	s2 =	simm.s32 $0x2680  }
0x1b: {  	[tilespmem:s2], [sflag:$0x6] =	stream.linear.gather [hbm4b:s7+s3], $0x80, $0x38;
	[tilespmem:$0x127C8] =	vst v63  }
0x1c: {  	_ =	swait.ge [sflag:s22], $0x80  }
0x1d: {  	[sflag:s22] =	ssyncset.done $0x0  }
0x1e: {  	s1 =	simm.s32 @p0 $0x0;
	s2 =	rddreg [dreg:$0x9];
	[sflag:s22] =	ssyncadd.s32 $0xFFFFFF80  }
0x1f: {  	[tilespmem:s1], [sflag:$0x1] =	stream.linear.gather @p0 [hbm4b:s2+s1], $0xFA0, $0x38;
	[tilespmem:$0x127C8] =	vst v63  }
0x20: {  	s1 =	simm.s32 @p0 $0x1  }
0x21: {  	_ =	swait.ge @p0 [sflag:s1], $0xFA0  }
0x22: {  	[sflag:s1] =	ssyncset.done @p0 $0x0  }
0x23: {  	s2 =	rddreg [dreg:$0x8];
	[sflag:s1] =	ssyncadd.s32 @p0 $0xFFFFF060;
	s1 =	simm.s32 @!p0 $0x0  }
0x24: {  	[tilespmem:s1], [sflag:$0x1] =	stream.linear.gather @!p0 [hbm4b:s2+s1], $0x1900, $0x38;
	[tilespmem:$0x127C8] =	vst v63  }
0x25: {  	s1 =	simm.s32 @!p0 $0x1  }
0x26: {  	_ =	swait.ge @!p0 [sflag:s1], $0x1900  }
0x27: {  	[sflag:s1] =	ssyncset.done @!p0 $0x0  }
0x28: {  	[sflag:s1] =	ssyncadd.s32 @!p0 $0xFFFFE700  }
0x29: {  	s8 =	simm.s32 $0x40;
	s21 =	simm.s32 $0x40;
	v2 =	vld [tilespmem:$0x2680]  }
0x2a: {  	s4 =	simm.s32 $0x20;
	s2 =	sor.u32 $0x50, s21;
	v3 =	vld [tilespmem:s8+$0x0]  }
0x2b: {  	s4 =	sor.u32 $0x30, s4;
	v4 =	vld [tilespmem:s2+$0x0]  }
0x2c: {  	v5 =	vld [tilespmem:s4+$0x0]  }
0x2d: {  	v6 =	vld [tilespmem:s8+$0xFFFFFFD0]  }
0x2e: {  	s6 =	simm.s32 $0x60;
	v7 =	vld [tilespmem:s8+$0xFFFFFFE0]  }
0x2f: {  	s2 =	sor.u32 $0x70, s6;
	v8 =	vld [tilespmem:s8+$0xFFFFFFC0]  }
0x30: {  	vm0 =	vle.f32 v3, v2;
	vm1 =	vle.f32 v4, v2;
	v3 =	vld [tilespmem:s2+$0x0]  }
0x31: {  	v10 =	vld [tilespmem:s8+$0x20];
	v4 =	vnsel vm0, $0x0, v0;
	v9 =	vnsel vm1, $0x0, v1  }
0x32: {  	v4 =	vor.u32 v4, v9  }
0x33: {  	vm0 =	vle.f32 v5, v2;
	vm1 =	vle.f32 v6, v2;
	(xrf0) =	vadd.scan.msk.s32 $0xffff, v4  }
0x34: {  	v5 =	vnsel vm1, $0x0, v1;
	v4 =	vnsel vm0, $0x0, v1;
	vm0 =	vle.f32 v7, v2  }
0x35: {  	s8 =	simm.s32 $0xC0;
	s6 =	simm.s32 $0xC0;
	vm1 =	vle.f32 v8, v2;
	v7 =	vnsel vm0, $0x0, v0;
	vm0 =	vle.f32 v3, v2  }
0x36: {  	s1 =	sor.u32 $0x50, s8;
	v9 =	vld [tilespmem:s6+$0x0];
	v8 =	vnsel vm1, $0x0, v0;
	vm1 =	vle.f32 v10, v2;
	v10 =	vnsel vm0, $0x0, v1  }
0x37: {  	s21 =	simm.s32 $0xA0;
	v3 =	vor.u32 v7, v4;
	v7 =	vld [tilespmem:s1+$0x0]  }
0x38: {  	s7 =	simm.s32 $0x2;
	s2 =	sor.u32 $0x30, s21;
	v4 =	vnsel vm1, $0x0, v0;
	(xrf0) =	vadd.scan.msk.s32 $0xffff, v3;
	v3 =	vor.u32 v8, v5  }
0x39: {  	v6 =	vmov s7;
	v11 =	vld [tilespmem:s2+$0x0];
	v4 =	vor.u32 v4, v10;
	v10, _, _ =	vpop (xrf0);
	(xrf0) =	vadd.scan.msk.s32 $0xffff, v3  }
0x3a: {  	s4 =	simm.s32 $0x1;
	v6 =	vand.u32 $0xFFFFFFFE, v6;
	v5 =	vld [tilespmem:s6+$0xFFFFFFD0]  }
0x3b: {  	v6 =	vbroadcast v6, $0x0;
	v8 =	vmov s4  }
0x3c: {  	v12 =	vld [tilespmem:s6+$0xFFFFFFE0];
	s7 =	simm.s32 $0xE0;
	v8 =	vand.u32 $0xFFFFFFFD, v8;
	vm0 =	vle.f32 v9, v2;
	vm1 =	vle.f32 v7, v2  }
0x3d: {  	v13 =	vld [tilespmem:s6+$0xFFFFFFC0];
	s1 =	sor.u32 $0x70, s7;
	v14 =	vbroadcast v8, $0x0;
	(xrf0) =	vadd.scan.msk.s32 $0xffff, v4;
	v7 =	vnsel vm0, $0x0, v0;
	v9 =	vnsel vm1, $0x0, v1  }
0x3e: {  	v15 =	vld [tilespmem:s1+$0x0];
	vm2 =	vle.f32 v11, v2;
	v3 =	vmov s3;
	v11, _, _ =	vpop (xrf0);
	v9 =	vor.u32 v7, v9  }
0x3f: {  	s8 =	simm.s32 $0x3;
	v8 =	vnsel vm2, $0x0, v1;
	v3 =	vand.u32 $0xFFFFFFFC, v3;
	vm0 =	vle.f32 v5, v2;
	v5, _, _ =	vpop (xrf0);
	(xrf0) =	vadd.scan.msk.s32 $0xffff, v9;
	v9 =	vld [tilespmem:s6+$0x20]  }
0x40: {  	v10 =	vbroadcast v10, $0xF;
	v4 =	vmov s8;
	v3 =	vbroadcast v3, $0x0  }
0x41: {  	s21 =	simm.s32 $0x6;
	v7 =	vnsel vm0, $0x0, v1;
	vm0 =	vle.f32 v12, v2;
	v16 =	vbroadcast v11, $0xF  }
0x42: {  	s2 =	simm.s32 $0x4;
	s7 =	simm.s32 $0x140;
	s1 =	simm.s32 $0x8;
	vm1 =	vle.f32 v13, v2;
	[tilespmem:v6+s23+$0x0] =	vst.idx.msk $0x1, v10;
	v12 =	vmov s21;
	v10 =	vnsel vm0, $0x0, v0  }
0x43: {  	s4 =	simm.s32 $0x160;
	s21 =	simm.s32 $0x140;
	v11 =	vnsel vm1, $0x0, v0;
	v12 =	vand.u32 $0xFFFFFFFE, v12;
	vm0 =	vle.f32 v15, v2;
	s6 =	simm.s32 $0xC;
	[tilespmem:v14+s23+$0x0] =	vst.idx.msk $0x1, v16;
	v6, _, _ =	vpop (xrf0)  }
.LBB2_2:
0x44: {  	p1 =	slt.u32 s6, $0xC4;
	s8 =	sadd.s32 $0xFFFFFFC0, s4;
	v13 =	vld [tilespmem:s21+$0x0];
	s7 =	sor.u32 $0x50, s7;
	v8 =	vor.u32 v10, v8;
	v10 =	vbroadcast v12, $0x0;
	vm1 =	vle.f32 v9, v2  }
0x45: {  	v7 =	vor.u32 v11, v7;
	v12 =	vnsel vm0, $0x0, v1;
	s8 =	sor.u32 $0x30, s8;
	v9 =	vld [tilespmem:s7+$0x0];
	s7 =	sor.u32 $0x70, s4;
	v11 =	vnsel vm1, $0x0, v0;
	(xrf0) =	vadd.scan.msk.s32 $0xffff, v8  }
0x46: {  	v5 =	vbroadcast v5, $0xF;
	v6 =	vbroadcast v6, $0xF;
	v8 =	vld [tilespmem:s8+$0x0];
	s8 =	sadd.s32 $0x1, s2;
	v11 =	vor.u32 v11, v12;
	(xrf0) =	vadd.scan.msk.s32 $0xffff, v7  }
0x47: {  	v7 =	vld [tilespmem:s21+$0xFFFFFFD0];
	v12 =	vmov s8;
	v14, _, _ =	vpop (xrf0);
	(xrf0) =	vadd.scan.msk.s32 $0xffff, v11  }
0x48: {  	v15 =	vmov s2;
	s8 =	sadd.s32 $0x3, s2;
	s2 =	smov.u32 s1;
	s1 =	smov.u32 s6;
	v11 =	vld [tilespmem:s21+$0xFFFFFFE0];
	v12 =	vand.u32 $0xFFFFFFFD, v12;
	v14 =	vbroadcast v14, $0xF;
	[tilespmem:v4+s23+$0x0] =	vst.idx.msk $0x1, v6  }
0x49: {  	v6 =	vand.u32 $0xFFFFFFFC, v15;
	v4 =	vmov s8;
	v16 =	vld [tilespmem:s21+$0xFFFFFFC0];
	v15 =	vbroadcast v12, $0x0;
	[tilespmem:v3+s23+$0x0] =	vst.idx.msk $0x1, v5  }
0x4a: {  	vm0 =	vle.f32 v13, v2;
	v3 =	vbroadcast v6, $0x0;
	vm1 =	vle.f32 v9, v2;
	v13 =	vld [tilespmem:s7+$0x0];
	[tilespmem:v10+s23+$0x0] =	vst.idx.msk $0x1, v14  }
.Ltmp0:
0x4b: {  	v12 =	vnsel vm0, $0x0, v0;
	vm2 =	vle.f32 v8, v2;
	v17 =	vnsel vm1, $0x0, v1;
	v9 =	vld [tilespmem:s21+$0x20];
	v10, _, _ =	vpop (xrf0);
	(pc) =	sbr.rel @p1 .LBB2_2-.Ltmp0, $4  }
0x4c: {  	vm0 =	vle.f32 v7, v2;
	v8 =	vnsel vm2, $0x0, v1;
	v12 =	vor.u32 v12, v17;
	v5, _, _ =	vpop (xrf0)  }
0x4d: {  	s7 =	sadd.s32 $0x2, s2;
	v14 =	vbroadcast v10, $0xF;
	v7 =	vnsel vm0, $0x0, v1;
	vm0 =	vle.f32 v11, v2;
	(xrf0) =	vadd.scan.msk.s32 $0xffff, v12;
	v6, _, _ =	vpop (xrf0)  }
0x4e: {  	s4 =	sadd.s32 $0x80, s4;
	v12 =	vmov s7;
	vm1 =	vle.f32 v16, v2;
	v10 =	vnsel vm0, $0x0, v0  }
0x4f: {  	s6 =	sadd.s32 $0x4, s6;
	s21 =	sadd.s32 $0x80, s21;
	s7 =	sadd.s32 $0xFFFFFFE0, s4;
	v12 =	vand.u32 $0xFFFFFFFE, v12;
	v11 =	vnsel vm1, $0x0, v0;
	vm0 =	vle.f32 v13, v2;
	[tilespmem:v15+s23+$0x0] =	vst.idx.msk $0x1, v14  }
0x50: {  	v13 =	vld [tilespmem:s21+$0x0]  }
0x51: {  	vm1 =	vle.f32 v9, v2;
	v9 =	vld [tilespmem:s21+$0xFFFFFFD0]  }
0x52: {  	v16 =	vld [tilespmem:s21+$0xFFFFFFE0]  }
0x53: {  	s6 =	sadd.s32 $0xFFFFFFC0, s4;
	s7 =	sor.u32 $0x50, s7;
	v17 =	vld [tilespmem:s21+$0xFFFFFFC0]  }
0x54: {  	s6 =	sor.u32 $0x30, s6;
	v14 =	vld [tilespmem:s7+$0x0]  }
0x55: {  	v8 =	vor.u32 v10, v8;
	v10 =	vbroadcast v12, $0x0;
	v7 =	vor.u32 v11, v7;
	s7 =	sor.u32 $0x70, s4;
	v15 =	vld [tilespmem:s6+$0x0]  }
0x56: {  	v12 =	vnsel vm0, $0x0, v1;
	s8 =	sadd.s32 $0x1, s2;
	v5 =	vbroadcast v5, $0xF;
	v11 =	vnsel vm1, $0x0, v0;
	v19 =	vld [tilespmem:s7+$0x0]  }
0x57: {  	v6 =	vbroadcast v6, $0xF;
	v11 =	vor.u32 v11, v12;
	v12 =	vmov s8  }
0x58: {  	v18 =	vmov s2;
	(xrf0) =	vadd.scan.msk.s32 $0xffff, v8;
	v12 =	vand.u32 $0xFFFFFFFD, v12;
	vm9 =	vle.f32 v13, v2;
	v13 =	vld [tilespmem:s21+$0x20]  }
0x59: {  	(xrf0) =	vadd.scan.msk.s32 $0xffff, v7;
	vm11 =	vle.f32 v9, v2;
	vm12 =	vle.f32 v16, v2;
	vm13 =	vle.f32 v17, v2  }
0x5a: {  	(xrf0) =	vadd.scan.msk.s32 $0xffff, v11;
	vm10 =	vle.f32 v14, v2;
	v14 =	vnsel vm9, $0x0, v0;
	v11 =	vnsel vm12, $0x0, v0  }
0x5b: {  	vm2 =	vle.f32 v15, v2;
	v8 =	vnsel vm10, $0x0, v1;
	vm14 =	vle.f32 v19, v2  }
0x5c: {  	v9 =	vnsel vm2, $0x0, v1;
	v7 =	vor.u32 v14, v8;
	v8 =	vnsel vm11, $0x0, v1  }
0x5d: {  	v14 =	vnsel vm13, $0x0, v0;
	(xrf0) =	vadd.scan.msk.s32 $0xffff, v7;
	v7 =	vor.u32 v11, v9;
	vm15 =	vle.f32 v13, v2  }
0x5e: {  	s21 =	sadd.s32 $0x2, s1;
	v9 =	vnsel vm14, $0x0, v1;
	v2 =	vor.u32 v14, v8;
	v8 =	vnsel vm15, $0x0, v0  }
0x5f: {  	[tilespmem:v4+s23+$0x0] =	vst.idx.msk $0x1, v6;
	v12 =	vbroadcast v12, $0x0;
	v13 =	vmov s21;
	v8 =	vor.u32 v8, v9  }
0x60: {  	v18 =	vand.u32 $0xFFFFFFFC, v18;
	s4 =	sadd.s32 $0x1, s1;
	[tilespmem:v3+s23+$0x0] =	vst.idx.msk $0x1, v5;
	(xrf0) =	vadd.scan.msk.s32 $0xffff, v7;
	v13 =	vand.u32 $0xFFFFFFFE, v13;
	v7, _, _ =	vpop (xrf0)  }
0x61: {  	v5 =	vmov s1;
	v14 =	vmov s4;
	(xrf0) =	vadd.scan.msk.s32 $0xffff, v2;
	v2 =	vbroadcast v18, $0x0;
	v9, _, _ =	vpop (xrf0)  }
0x62: {  	s8 =	sadd.s32 $0x3, s2;
	v6 =	vand.u32 $0xFFFFFFFD, v14;
	v4 =	vbroadcast v13, $0x0;
	(xrf0) =	vadd.scan.msk.s32 $0xffff, v8;
	v7 =	vbroadcast v7, $0xF;
	v8, _, _ =	vpop (xrf0)  }
0x63: {  	v11 =	vmov s8;
	v6 =	vbroadcast v6, $0x0;
	v3 =	vbroadcast v9, $0xF;
	v13, _, _ =	vpop (xrf0)  }
0x64: {  	v5 =	vand.u32 $0xFFFFFFFC, v5;
	[tilespmem:v10+s23+$0x0] =	vst.idx.msk $0x1, v7;
	v7 =	vbroadcast v13, $0xF  }
0x65: {  	v5 =	vbroadcast v5, $0x0;
	[tilespmem:v12+s23+$0x0] =	vst.idx.msk $0x1, v3;
	v3 =	vbroadcast v8, $0xF;
	v9, _, _ =	vpop (xrf0)  }
0x66: {  	s6 =	sadd.s32 $0x3, s1;
	v10, _, _ =	vpop (xrf0)  }
0x67: {  	v8 =	vmov s6;
	[tilespmem:v2+s23+$0x0] =	vst.idx.msk $0x1, v3;
	v2 =	vbroadcast v10, $0xF  }
0x68: {  	v9 =	vbroadcast v9, $0xF;
	[tilespmem:v11+s23+$0x0] =	vst.idx.msk $0x1, v7;
	v7, _, _ =	vpop (xrf0)  }
0x69: {  	[tilespmem:v6+s23+$0x0] =	vst.idx.msk $0x1, v2;
	v3, _, _ =	vpop (xrf0);
	v2 =	vbroadcast v7, $0xF  }
0x6a: {  	[tilespmem:v4+s23+$0x0] =	vst.idx.msk $0x1, v9;
	v3 =	vbroadcast v3, $0xF  }
0x6b: {  	[tilespmem:v5+s23+$0x0] =	vst.idx.msk $0x1, v2  }
0x6c: {  	[tilespmem:v8+s23+$0x0] =	vst.idx.msk $0x1, v3  }
0x6d: {  	[spmem:s9] =	stream.linear.scatter [tilespmem:s23], [sflag:$0x6], $0xC8, $0x38;
	[tilespmem:$0x127C8] =	vst v63  }
0x6e: {  	_ =	swait.ge [sflag:s22], $0xC8  }
0x6f: {  	[sflag:s22] =	ssyncset.done $0x0  }
0x70: {  	[sflag:s22] =	ssyncadd.s32 $0xFFFFFF38  }
0x71: {  	[bflag:$0x0] =	sbarrier.arrive $0xFFFF  }
0x72: {  	s7 =	rddreg [dreg:$0x4]  }
0x73: {  	[tilespmem:s24], [sflag:$0x6] =	stream.linear.gather [spmem:s7], $0xC80, $0x38;
	[tilespmem:$0x127C8] =	vst v63  }
0x74: {  	_ =	swait.ge [sflag:s22], $0xC80  }
0x75: {  	[sflag:s22] =	ssyncset.done $0x0  }
0x76: {  	[sflag:s22] =	ssyncadd.s32 $0xFFFFF380  }
0x77: {  	_ =	swait.ge [sflag:s25], $0x4000  }
0x78: {  	[sflag:s25] =	ssyncset.done $0x0  }
0x79: {  	s8 =	simm.s32 $0x2740;
	[sflag:s25] =	ssyncadd.s32 $0xFFFFC000  }
0x7a: {  	v2 =	vld [tilespmem:s8+$0x30]  }
0x7b: {  	v3 =	vld [tilespmem:s8+$0xFFFFFFD0]  }
0x7c: {  	v4 =	vld [tilespmem:s8+$0xFFFFFFE0]  }
0x7d: {  	v5 =	vld [tilespmem:s8+$0xFFFFFFF0]  }
0x7e: {  	v6 =	vld [tilespmem:s8+$0x0]  }
0x7f: {  	v7 =	vld [tilespmem:s8+$0x10]  }
0x80: {  	v11 =	vld [tilespmem:s8+$0x20]  }
0x81: {  	s21 =	simm.s32 $0x27C0;
	v13 =	vld [tilespmem:s8+$0xFFFFFFC0]  }
0x82: {  	v17 =	vld [tilespmem:s21+$0x30]  }
0x83: {  	v18 =	vld [tilespmem:s21+$0xFFFFFFD0];
	v8 =	vshrl.u32 v2, $0x5  }
0x84: {  	v19 =	vld [tilespmem:s21+$0xFFFFFFE0];
	v9 =	vshrl.u32 v3, $0x5  }
0x85: {  	v20 =	vld [tilespmem:s21+$0xFFFFFFF0];
	v10 =	vshrl.u32 v4, $0x5  }
0x86: {  	v12 =	vshrl.u32 v5, $0x5;
	v21 =	vshrl.u32 v11, $0x5;
	v22 =	vand.u32 $0x1F, v11;
	v11 =	vld [tilespmem:s21+$0x0]  }
0x87: {  	v14 =	vshrl.u32 v6, $0x5;
	v16 =	vshrl.u32 v13, $0x5;
	v23 =	vand.u32 $0x1F, v13;
	v13 =	vld [tilespmem:s21+$0x10]  }
0x88: {  	v8 =	vld.idx.msk [tilespmem:v8+s24+$0x0], $0xffff  }
0x89: {  	v15 =	vshrl.u32 v7, $0x5;
	v9 =	vld.idx.msk [tilespmem:v9+s24+$0x0], $0xffff  }
0x8a: {  	v10 =	vld.idx.msk [tilespmem:v10+s24+$0x0], $0xffff  }
0x8b: {  	v3 =	vand.u32 $0x1F, v3;
	v12 =	vld.idx.msk [tilespmem:v12+s24+$0x0], $0xffff  }
0x8c: {  	v4 =	vand.u32 $0x1F, v4;
	v5 =	vand.u32 $0x1F, v5;
	v6 =	vand.u32 $0x1F, v6;
	v14 =	vld.idx.msk [tilespmem:v14+s24+$0x0], $0xffff  }
0x8d: {  	v25 =	vld [tilespmem:s21+$0xFFFFFFC0];
	v7 =	vand.u32 $0x1F, v7;
	v2 =	vand.u32 $0x1F, v2;
	v24 =	vshrl.u32 v17, $0x5  }
0x8e: {  	v26 =	vshrl.u32 v19, $0x5;
	v17 =	vand.u32 $0x1F, v17;
	v15 =	vld.idx.msk [tilespmem:v15+s24+$0x0], $0xffff;
	v28 =	vshrl.u32 v11, $0x5  }
0x8f: {  	v27 =	vld.idx.msk [tilespmem:v16+s24+$0x0], $0xffff;
	v29 =	vshrl.u32 v13, $0x5;
	v2 =	vshrl.u32 v8, v2;
	v8 =	vshrl.u32 v18, $0x5  }
0x90: {  	v21 =	vld.idx.msk [tilespmem:v21+s24+$0x0], $0xffff;
	v3 =	vshrl.u32 v9, v3;
	v4 =	vshrl.u32 v10, v4;
	v5 =	vshrl.u32 v12, v5  }
0x91: {  	s1 =	simm.s32 $0xA740;
	v9 =	vld [tilespmem:s21+$0x20];
	v12 =	vshrl.u32 v20, $0x5;
	v6 =	vshrl.u32 v14, v6;
	v2 =	vand.u32 $0x1, v2  }
0x92: {  	v16 =	vld.idx.msk [tilespmem:v24+s24+$0x0], $0xffff;
	v10 =	vand.u32 $0x1F, v18;
	v3 =	vand.u32 $0x1, v3;
	v4 =	vand.u32 $0x1, v4;
	[tilespmem:s1+$0x30] =	vst v2  }
0x93: {  	v14 =	vld.idx.msk [tilespmem:v26+s24+$0x0], $0xffff;
	v2 =	vand.u32 $0x1, v5;
	v5 =	vshrl.u32 v15, v7;
	[tilespmem:s1+$0xFFFFFFD0] =	vst v3;
	v3 =	vand.u32 $0x1, v6  }
0x94: {  	[tilespmem:s1+$0xFFFFFFE0] =	vst v4;
	v7 =	vand.u32 $0x1F, v20;
	v6 =	vand.u32 $0x1F, v11;
	v18 =	vand.u32 $0x1, v5;
	v15 =	vld.idx.msk [tilespmem:v8+s24+$0x0], $0xffff  }
0x95: {  	v11 =	vld.idx.msk [tilespmem:v29+s24+$0x0], $0xffff;
	v5 =	vand.u32 $0x1F, v13;
	[tilespmem:s1+$0x0] =	vst v3;
	v3 =	vand.u32 $0x1F, v25;
	v8 =	vand.u32 $0x1F, v19  }
0x96: {  	[tilespmem:s1+$0xFFFFFFF0] =	vst v2;
	v4 =	vshrl.u32 v9, $0x5;
	v2 =	vand.u32 $0x1F, v9;
	v13 =	vld.idx.msk [tilespmem:v12+s24+$0x0], $0xffff;
	v19 =	vshrl.u32 v27, v23  }
0x97: {  	s2 =	simm.s32 $0x80;
	s4 =	simm.s32 $0x2840;
	[tilespmem:s1+$0x10] =	vst v18;
	v9 =	vshrl.u32 v25, $0x5;
	v12 =	vld.idx.msk [tilespmem:v28+s24+$0x0], $0xffff;
	v18 =	vand.u32 $0x1, v19;
	v19 =	vshrl.u32 v21, v22  }
.LBB2_4:
0x98: {  	v20 =	vld [tilespmem:s4+$0x30];
	s2 =	sadd.s32 $0x80, s2;
	v16 =	vshrl.u32 v16, v17;
	[tilespmem:s1+$0xFFFFFFC0] =	vst v18;
	v17 =	vand.u32 $0x1, v19  }
0x99: {  	v10 =	vshrl.u32 v15, v10;
	v18 =	vld [tilespmem:s4+$0xFFFFFFD0];
	p1 =	slt.u32 s2, $0x3F80;
	v15 =	vand.u32 $0x1, v16;
	[tilespmem:s1+$0x20] =	vst v17;
	s1 =	sadd.s32 $0x80, s1  }
0x9a: {  	v10 =	vand.u32 $0x1, v10;
	v8 =	vshrl.u32 v14, v8;
	v16 =	vld [tilespmem:s4+$0xFFFFFFE0];
	[tilespmem:s1+$0x30] =	vst v15  }
0x9b: {  	v8 =	vand.u32 $0x1, v8;
	v7 =	vshrl.u32 v13, v7;
	v14 =	vld [tilespmem:s4+$0xFFFFFFF0];
	[tilespmem:s1+$0xFFFFFFD0] =	vst v10  }
0x9c: {  	v7 =	vand.u32 $0x1, v7;
	v6 =	vshrl.u32 v12, v6;
	v13 =	vld [tilespmem:s4+$0x0];
	[tilespmem:s1+$0xFFFFFFE0] =	vst v8  }
0x9d: {  	v6 =	vand.u32 $0x1, v6;
	v5 =	vshrl.u32 v11, v5;
	v12 =	vld [tilespmem:s4+$0x10];
	v15 =	vshrl.u32 v20, $0x5;
	[tilespmem:s1+$0xFFFFFFF0] =	vst v7  }
0x9e: {  	v5 =	vand.u32 $0x1, v5;
	v11 =	vshrl.u32 v18, $0x5;
	v10 =	vand.u32 $0x1F, v18;
	v17 =	vld [tilespmem:s4+$0x20];
	[tilespmem:s1+$0x0] =	vst v6  }
0x9f: {  	v18 =	vld [tilespmem:s4+$0xFFFFFFC0];
	v19 =	vshrl.u32 v16, $0x5;
	v8 =	vand.u32 $0x1F, v16;
	[tilespmem:s1+$0x10] =	vst v5  }
0xa0: {  	v21 =	vshrl.u32 v14, $0x5;
	v7 =	vand.u32 $0x1F, v14;
	v22 =	vld.idx.msk [tilespmem:v9+s24+$0x0], $0xffff  }
0xa1: {  	v23 =	vshrl.u32 v13, $0x5;
	v6 =	vand.u32 $0x1F, v13;
	v24 =	vld.idx.msk [tilespmem:v4+s24+$0x0], $0xffff  }
0xa2: {  	v25 =	vshrl.u32 v12, $0x5;
	v5 =	vand.u32 $0x1F, v12;
	v16 =	vld.idx.msk [tilespmem:v15+s24+$0x0], $0xffff  }
.Ltmp1:
0xa3: {  	v15 =	vld.idx.msk [tilespmem:v11+s24+$0x0], $0xffff;
	v4 =	vshrl.u32 v17, $0x5;
	v26 =	vand.u32 $0x1F, v17;
	(pc) =	sbr.rel @p1 .LBB2_4-.Ltmp1, $4  }
0xa4: {  	v9 =	vshrl.u32 v18, $0x5;
	v11 =	vand.u32 $0x1F, v18;
	v14 =	vld.idx.msk [tilespmem:v19+s24+$0x0], $0xffff  }
0xa5: {  	v13 =	vld.idx.msk [tilespmem:v21+s24+$0x0], $0xffff  }
0xa6: {  	v18 =	vshrl.u32 v22, v3;
	v3 =	vmov v11;
	v12 =	vld.idx.msk [tilespmem:v23+s24+$0x0], $0xffff  }
0xa7: {  	s4 =	sadd.s32 $0x80, s4;
	v17 =	vand.u32 $0x1F, v20;
	v18 =	vand.u32 $0x1, v18;
	v19 =	vshrl.u32 v24, v2;
	v2 =	vmovc v26;
	v11 =	vld.idx.msk [tilespmem:v25+s24+$0x0], $0xffff  }
0xa8: {  	_ =	sdelay $0x2  }
0xa9: {  	v16 =	vshrl.u32 v16, v17;
	[tilespmem:s1+$0xFFFFFFC0] =	vst v18;
	v17 =	vand.u32 $0x1, v19  }
0xaa: {  	v10 =	vshrl.u32 v15, v10;
	s7 =	sadd.s32 $0x80, s1;
	v9 =	vld.idx.msk [tilespmem:v9+s24+$0x0], $0xffff;
	v15 =	vand.u32 $0x1, v16;
	[tilespmem:s1+$0x20] =	vst v17  }
0xab: {  	v4 =	vld.idx.msk [tilespmem:v4+s24+$0x0], $0xffff;
	v10 =	vand.u32 $0x1, v10;
	v8 =	vshrl.u32 v14, v8;
	[tilespmem:s7+$0x30] =	vst v15  }
0xac: {  	[tilespmem:s7+$0xFFFFFFD0] =	vst v10;
	v8 =	vand.u32 $0x1, v8;
	v7 =	vshrl.u32 v13, v7  }
0xad: {  	[tilespmem:s7+$0xFFFFFFE0] =	vst v8;
	v7 =	vand.u32 $0x1, v7;
	v6 =	vshrl.u32 v12, v6  }
0xae: {  	[tilespmem:s7+$0xFFFFFFF0] =	vst v7;
	v6 =	vand.u32 $0x1, v6;
	v5 =	vshrl.u32 v11, v5  }
0xaf: {  	[tilespmem:s7+$0x0] =	vst v6;
	v5 =	vand.u32 $0x1, v5;
	v3 =	vshrl.u32 v9, v3  }
0xb0: {  	v2 =	vshrl.u32 v4, v2;
	[tilespmem:s7+$0x10] =	vst v5;
	v3 =	vand.u32 $0x1, v3  }
0xb1: {  	v2 =	vand.u32 $0x1, v2;
	[tilespmem:s7+$0xFFFFFFC0] =	vst v3  }
0xb2: {  	[tilespmem:s7+$0x20] =	vst v2  }
0xb3: {  	[hbm4b:s10+s3] =	stream.linear.scatter [tilespmem:s26], [sflag:$0x4], $0x4000, $0x38;
	[tilespmem:$0x127C8] =	vst v63  }
0xb4: {  	_ = 	snop  }
0xb5: {  	[tilespmem:s19], [sflag:$0x2] =	stream.strided.gather [hbm4b:s11+s17], $0x4000, s18, s17, $0x38;
	[tilespmem:$0x127C8] =	vst v63  }
0xb6: {  	_ =	swait.ge [sflag:s28], $0x4000  }
0xb7: {  	[sflag:s28] =	ssyncset.done $0x0  }
0xb8: {  	s8 =	simm.s32 $0x6740;
	[sflag:s28] =	ssyncadd.s32 $0xFFFFC000  }
0xb9: {  	v2 =	vld [tilespmem:s8+$0x30]  }
0xba: {  	v3 =	vld [tilespmem:s8+$0xFFFFFFD0]  }
0xbb: {  	v4 =	vld [tilespmem:s8+$0xFFFFFFE0]  }
0xbc: {  	v5 =	vld [tilespmem:s8+$0xFFFFFFF0]  }
0xbd: {  	v6 =	vld [tilespmem:s8+$0x0]  }
0xbe: {  	v7 =	vld [tilespmem:s8+$0x10]  }
0xbf: {  	v11 =	vld [tilespmem:s8+$0x20]  }
0xc0: {  	s21 =	simm.s32 $0x67C0;
	v13 =	vld [tilespmem:s8+$0xFFFFFFC0]  }
0xc1: {  	v17 =	vld [tilespmem:s21+$0x30]  }
0xc2: {  	v18 =	vld [tilespmem:s21+$0xFFFFFFD0];
	v8 =	vshrl.u32 v2, $0x5  }
0xc3: {  	v19 =	vld [tilespmem:s21+$0xFFFFFFE0];
	v9 =	vshrl.u32 v3, $0x5  }
0xc4: {  	v20 =	vld [tilespmem:s21+$0xFFFFFFF0];
	v10 =	vshrl.u32 v4, $0x5  }
0xc5: {  	v12 =	vshrl.u32 v5, $0x5;
	v21 =	vshrl.u32 v11, $0x5;
	v22 =	vand.u32 $0x1F, v11;
	v11 =	vld [tilespmem:s21+$0x0]  }
0xc6: {  	v14 =	vshrl.u32 v6, $0x5;
	v16 =	vshrl.u32 v13, $0x5;
	v23 =	vand.u32 $0x1F, v13;
	v13 =	vld [tilespmem:s21+$0x10]  }
0xc7: {  	v8 =	vld.idx.msk [tilespmem:v8+s24+$0x0], $0xffff  }
0xc8: {  	v15 =	vshrl.u32 v7, $0x5;
	v9 =	vld.idx.msk [tilespmem:v9+s24+$0x0], $0xffff  }
0xc9: {  	v10 =	vld.idx.msk [tilespmem:v10+s24+$0x0], $0xffff  }
0xca: {  	v3 =	vand.u32 $0x1F, v3;
	v12 =	vld.idx.msk [tilespmem:v12+s24+$0x0], $0xffff  }
0xcb: {  	v4 =	vand.u32 $0x1F, v4;
	v5 =	vand.u32 $0x1F, v5;
	v6 =	vand.u32 $0x1F, v6;
	v14 =	vld.idx.msk [tilespmem:v14+s24+$0x0], $0xffff  }
0xcc: {  	v25 =	vld [tilespmem:s21+$0xFFFFFFC0];
	v7 =	vand.u32 $0x1F, v7;
	v2 =	vand.u32 $0x1F, v2;
	v24 =	vshrl.u32 v17, $0x5  }
0xcd: {  	v26 =	vshrl.u32 v19, $0x5;
	v17 =	vand.u32 $0x1F, v17;
	v15 =	vld.idx.msk [tilespmem:v15+s24+$0x0], $0xffff;
	v28 =	vshrl.u32 v11, $0x5  }
0xce: {  	v27 =	vld.idx.msk [tilespmem:v16+s24+$0x0], $0xffff;
	v29 =	vshrl.u32 v13, $0x5;
	v2 =	vshrl.u32 v8, v2;
	v8 =	vshrl.u32 v18, $0x5  }
0xcf: {  	v21 =	vld.idx.msk [tilespmem:v21+s24+$0x0], $0xffff;
	v3 =	vshrl.u32 v9, v3;
	v4 =	vshrl.u32 v10, v4;
	v5 =	vshrl.u32 v12, v5  }
0xd0: {  	s1 =	simm.s32 $0xE740;
	v9 =	vld [tilespmem:s21+$0x20];
	v12 =	vshrl.u32 v20, $0x5;
	v6 =	vshrl.u32 v14, v6;
	v2 =	vand.u32 $0x1, v2  }
0xd1: {  	v16 =	vld.idx.msk [tilespmem:v24+s24+$0x0], $0xffff;
	v10 =	vand.u32 $0x1F, v18;
	v3 =	vand.u32 $0x1, v3;
	v4 =	vand.u32 $0x1, v4;
	[tilespmem:s1+$0x30] =	vst v2  }
0xd2: {  	v14 =	vld.idx.msk [tilespmem:v26+s24+$0x0], $0xffff;
	v2 =	vand.u32 $0x1, v5;
	v5 =	vshrl.u32 v15, v7;
	[tilespmem:s1+$0xFFFFFFD0] =	vst v3;
	v3 =	vand.u32 $0x1, v6  }
0xd3: {  	[tilespmem:s1+$0xFFFFFFE0] =	vst v4;
	v7 =	vand.u32 $0x1F, v20;
	v6 =	vand.u32 $0x1F, v11;
	v18 =	vand.u32 $0x1, v5;
	v15 =	vld.idx.msk [tilespmem:v8+s24+$0x0], $0xffff  }
0xd4: {  	v11 =	vld.idx.msk [tilespmem:v29+s24+$0x0], $0xffff;
	v5 =	vand.u32 $0x1F, v13;
	[tilespmem:s1+$0x0] =	vst v3;
	v3 =	vand.u32 $0x1F, v25;
	v8 =	vand.u32 $0x1F, v19  }
0xd5: {  	[tilespmem:s1+$0xFFFFFFF0] =	vst v2;
	v4 =	vshrl.u32 v9, $0x5;
	v2 =	vand.u32 $0x1F, v9;
	v13 =	vld.idx.msk [tilespmem:v12+s24+$0x0], $0xffff;
	v19 =	vshrl.u32 v27, v23  }
0xd6: {  	s2 =	simm.s32 $0x80;
	s4 =	simm.s32 $0x6840;
	[tilespmem:s1+$0x10] =	vst v18;
	v9 =	vshrl.u32 v25, $0x5;
	v12 =	vld.idx.msk [tilespmem:v28+s24+$0x0], $0xffff;
	v18 =	vand.u32 $0x1, v19;
	v19 =	vshrl.u32 v21, v22  }
.LBB2_6:
0xd7: {  	v20 =	vld [tilespmem:s4+$0x30];
	s2 =	sadd.s32 $0x80, s2;
	v16 =	vshrl.u32 v16, v17;
	[tilespmem:s1+$0xFFFFFFC0] =	vst v18;
	v17 =	vand.u32 $0x1, v19  }
0xd8: {  	v10 =	vshrl.u32 v15, v10;
	v18 =	vld [tilespmem:s4+$0xFFFFFFD0];
	p1 =	slt.u32 s2, $0x3F80;
	v15 =	vand.u32 $0x1, v16;
	[tilespmem:s1+$0x20] =	vst v17;
	s1 =	sadd.s32 $0x80, s1  }
0xd9: {  	v10 =	vand.u32 $0x1, v10;
	v8 =	vshrl.u32 v14, v8;
	v16 =	vld [tilespmem:s4+$0xFFFFFFE0];
	[tilespmem:s1+$0x30] =	vst v15  }
0xda: {  	v8 =	vand.u32 $0x1, v8;
	v7 =	vshrl.u32 v13, v7;
	v14 =	vld [tilespmem:s4+$0xFFFFFFF0];
	[tilespmem:s1+$0xFFFFFFD0] =	vst v10  }
0xdb: {  	v7 =	vand.u32 $0x1, v7;
	v6 =	vshrl.u32 v12, v6;
	v13 =	vld [tilespmem:s4+$0x0];
	[tilespmem:s1+$0xFFFFFFE0] =	vst v8  }
0xdc: {  	v6 =	vand.u32 $0x1, v6;
	v5 =	vshrl.u32 v11, v5;
	v12 =	vld [tilespmem:s4+$0x10];
	v15 =	vshrl.u32 v20, $0x5;
	[tilespmem:s1+$0xFFFFFFF0] =	vst v7  }
0xdd: {  	v5 =	vand.u32 $0x1, v5;
	v11 =	vshrl.u32 v18, $0x5;
	v10 =	vand.u32 $0x1F, v18;
	v17 =	vld [tilespmem:s4+$0x20];
	[tilespmem:s1+$0x0] =	vst v6  }
0xde: {  	v18 =	vld [tilespmem:s4+$0xFFFFFFC0];
	v19 =	vshrl.u32 v16, $0x5;
	v8 =	vand.u32 $0x1F, v16;
	[tilespmem:s1+$0x10] =	vst v5  }
0xdf: {  	v21 =	vshrl.u32 v14, $0x5;
	v7 =	vand.u32 $0x1F, v14;
	v22 =	vld.idx.msk [tilespmem:v9+s24+$0x0], $0xffff  }
0xe0: {  	v23 =	vshrl.u32 v13, $0x5;
	v6 =	vand.u32 $0x1F, v13;
	v24 =	vld.idx.msk [tilespmem:v4+s24+$0x0], $0xffff  }
0xe1: {  	v25 =	vshrl.u32 v12, $0x5;
	v5 =	vand.u32 $0x1F, v12;
	v16 =	vld.idx.msk [tilespmem:v15+s24+$0x0], $0xffff  }
.Ltmp2:
0xe2: {  	v15 =	vld.idx.msk [tilespmem:v11+s24+$0x0], $0xffff;
	v4 =	vshrl.u32 v17, $0x5;
	v26 =	vand.u32 $0x1F, v17;
	(pc) =	sbr.rel @p1 .LBB2_6-.Ltmp2, $4  }
0xe3: {  	v9 =	vshrl.u32 v18, $0x5;
	v11 =	vand.u32 $0x1F, v18;
	v14 =	vld.idx.msk [tilespmem:v19+s24+$0x0], $0xffff  }
0xe4: {  	v13 =	vld.idx.msk [tilespmem:v21+s24+$0x0], $0xffff  }
0xe5: {  	v18 =	vshrl.u32 v22, v3;
	v3 =	vmov v11;
	v12 =	vld.idx.msk [tilespmem:v23+s24+$0x0], $0xffff  }
0xe6: {  	s4 =	sadd.s32 $0x80, s4;
	v17 =	vand.u32 $0x1F, v20;
	v18 =	vand.u32 $0x1, v18;
	v19 =	vshrl.u32 v24, v2;
	v2 =	vmovc v26;
	v11 =	vld.idx.msk [tilespmem:v25+s24+$0x0], $0xffff  }
0xe7: {  	_ =	sdelay $0x2  }
0xe8: {  	v16 =	vshrl.u32 v16, v17;
	[tilespmem:s1+$0xFFFFFFC0] =	vst v18;
	v17 =	vand.u32 $0x1, v19  }
0xe9: {  	v10 =	vshrl.u32 v15, v10;
	s7 =	sadd.s32 $0x80, s1;
	v9 =	vld.idx.msk [tilespmem:v9+s24+$0x0], $0xffff;
	v15 =	vand.u32 $0x1, v16;
	[tilespmem:s1+$0x20] =	vst v17  }
0xea: {  	v4 =	vld.idx.msk [tilespmem:v4+s24+$0x0], $0xffff;
	v10 =	vand.u32 $0x1, v10;
	v8 =	vshrl.u32 v14, v8;
	[tilespmem:s7+$0x30] =	vst v15  }
0xeb: {  	[tilespmem:s7+$0xFFFFFFD0] =	vst v10;
	v8 =	vand.u32 $0x1, v8;
	v7 =	vshrl.u32 v13, v7  }
0xec: {  	[tilespmem:s7+$0xFFFFFFE0] =	vst v8;
	v7 =	vand.u32 $0x1, v7;
	v6 =	vshrl.u32 v12, v6  }
0xed: {  	[tilespmem:s7+$0xFFFFFFF0] =	vst v7;
	v6 =	vand.u32 $0x1, v6;
	v5 =	vshrl.u32 v11, v5  }
0xee: {  	[tilespmem:s7+$0x0] =	vst v6;
	v5 =	vand.u32 $0x1, v5;
	v3 =	vshrl.u32 v9, v3  }
0xef: {  	v2 =	vshrl.u32 v4, v2;
	[tilespmem:s7+$0x10] =	vst v5;
	v3 =	vand.u32 $0x1, v3  }
0xf0: {  	v2 =	vand.u32 $0x1, v2;
	[tilespmem:s7+$0xFFFFFFC0] =	vst v3  }
0xf1: {  	[tilespmem:s7+$0x20] =	vst v2  }
0xf2: {  	[hbm4b:s12+s3] =	stream.linear.scatter [tilespmem:s29], [sflag:$0x5], $0x4000, $0x38;
	[tilespmem:$0x127C8] =	vst v63  }
0xf3: {  	_ = 	snop  }
0xf4: {  	[tilespmem:s20], [sflag:$0x3] =	stream.strided.gather [hbm4b:s13+s17], $0x4000, s18, s17, $0x38;
	[tilespmem:$0x127C8] =	vst v63  }
0xf5: {  	_ =	swait.ge [sflag:s25], $0x4000  }
0xf6: {  	[sflag:s25] =	ssyncset.done $0x0  }
0xf7: {  	[sflag:s25] =	ssyncadd.s32 $0xFFFFC000  }
0xf8: {  	_ =	swait.ge [sflag:s30], $0x4000  }
0xf9: {  	[sflag:s30] =	ssyncset.done $0x0  }
0xfa: {  	s8 =	simm.s32 $0x2740;
	[sflag:s30] =	ssyncadd.s32 $0xFFFFC000  }
0xfb: {  	v2 =	vld [tilespmem:s8+$0x30]  }
0xfc: {  	v3 =	vld [tilespmem:s8+$0xFFFFFFD0]  }
0xfd: {  	v4 =	vld [tilespmem:s8+$0xFFFFFFE0]  }
0xfe: {  	v5 =	vld [tilespmem:s8+$0xFFFFFFF0]  }
0xff: {  	v6 =	vld [tilespmem:s8+$0x0]  }
0x100: {  	v7 =	vld [tilespmem:s8+$0x10]  }
0x101: {  	v11 =	vld [tilespmem:s8+$0x20]  }
0x102: {  	s21 =	simm.s32 $0x27C0;
	v13 =	vld [tilespmem:s8+$0xFFFFFFC0]  }
0x103: {  	v17 =	vld [tilespmem:s21+$0x30]  }
0x104: {  	v18 =	vld [tilespmem:s21+$0xFFFFFFD0];
	v8 =	vshrl.u32 v2, $0x5  }
0x105: {  	v19 =	vld [tilespmem:s21+$0xFFFFFFE0];
	v9 =	vshrl.u32 v3, $0x5  }
0x106: {  	v20 =	vld [tilespmem:s21+$0xFFFFFFF0];
	v10 =	vshrl.u32 v4, $0x5  }
0x107: {  	v12 =	vshrl.u32 v5, $0x5;
	v21 =	vshrl.u32 v11, $0x5;
	v22 =	vand.u32 $0x1F, v11;
	v11 =	vld [tilespmem:s21+$0x0]  }
0x108: {  	v14 =	vshrl.u32 v6, $0x5;
	v16 =	vshrl.u32 v13, $0x5;
	v23 =	vand.u32 $0x1F, v13;
	v13 =	vld [tilespmem:s21+$0x10]  }
0x109: {  	v8 =	vld.idx.msk [tilespmem:v8+s24+$0x0], $0xffff  }
0x10a: {  	v15 =	vshrl.u32 v7, $0x5;
	v9 =	vld.idx.msk [tilespmem:v9+s24+$0x0], $0xffff  }
0x10b: {  	v10 =	vld.idx.msk [tilespmem:v10+s24+$0x0], $0xffff  }
0x10c: {  	v3 =	vand.u32 $0x1F, v3;
	v12 =	vld.idx.msk [tilespmem:v12+s24+$0x0], $0xffff  }
0x10d: {  	v4 =	vand.u32 $0x1F, v4;
	v5 =	vand.u32 $0x1F, v5;
	v6 =	vand.u32 $0x1F, v6;
	v14 =	vld.idx.msk [tilespmem:v14+s24+$0x0], $0xffff  }
0x10e: {  	v25 =	vld [tilespmem:s21+$0xFFFFFFC0];
	v7 =	vand.u32 $0x1F, v7;
	v2 =	vand.u32 $0x1F, v2;
	v24 =	vshrl.u32 v17, $0x5  }
0x10f: {  	v26 =	vshrl.u32 v19, $0x5;
	v17 =	vand.u32 $0x1F, v17;
	v15 =	vld.idx.msk [tilespmem:v15+s24+$0x0], $0xffff;
	v28 =	vshrl.u32 v11, $0x5  }
0x110: {  	v27 =	vld.idx.msk [tilespmem:v16+s24+$0x0], $0xffff;
	v29 =	vshrl.u32 v13, $0x5;
	v2 =	vshrl.u32 v8, v2;
	v8 =	vshrl.u32 v18, $0x5  }
0x111: {  	v21 =	vld.idx.msk [tilespmem:v21+s24+$0x0], $0xffff;
	v3 =	vshrl.u32 v9, v3;
	v4 =	vshrl.u32 v10, v4;
	v5 =	vshrl.u32 v12, v5  }
0x112: {  	s1 =	simm.s32 $0xA740;
	v9 =	vld [tilespmem:s21+$0x20];
	v12 =	vshrl.u32 v20, $0x5;
	v6 =	vshrl.u32 v14, v6;
	v2 =	vand.u32 $0x1, v2  }
0x113: {  	v16 =	vld.idx.msk [tilespmem:v24+s24+$0x0], $0xffff;
	v10 =	vand.u32 $0x1F, v18;
	v3 =	vand.u32 $0x1, v3;
	v4 =	vand.u32 $0x1, v4;
	[tilespmem:s1+$0x30] =	vst v2  }
0x114: {  	v14 =	vld.idx.msk [tilespmem:v26+s24+$0x0], $0xffff;
	v2 =	vand.u32 $0x1, v5;
	v5 =	vshrl.u32 v15, v7;
	[tilespmem:s1+$0xFFFFFFD0] =	vst v3;
	v3 =	vand.u32 $0x1, v6  }
0x115: {  	[tilespmem:s1+$0xFFFFFFE0] =	vst v4;
	v7 =	vand.u32 $0x1F, v20;
	v6 =	vand.u32 $0x1F, v11;
	v18 =	vand.u32 $0x1, v5;
	v15 =	vld.idx.msk [tilespmem:v8+s24+$0x0], $0xffff  }
0x116: {  	v11 =	vld.idx.msk [tilespmem:v29+s24+$0x0], $0xffff;
	v5 =	vand.u32 $0x1F, v13;
	[tilespmem:s1+$0x0] =	vst v3;
	v3 =	vand.u32 $0x1F, v25;
	v8 =	vand.u32 $0x1F, v19  }
0x117: {  	[tilespmem:s1+$0xFFFFFFF0] =	vst v2;
	v4 =	vshrl.u32 v9, $0x5;
	v2 =	vand.u32 $0x1F, v9;
	v13 =	vld.idx.msk [tilespmem:v12+s24+$0x0], $0xffff;
	v19 =	vshrl.u32 v27, v23  }
0x118: {  	s2 =	simm.s32 $0x80;
	s4 =	simm.s32 $0x2840;
	[tilespmem:s1+$0x10] =	vst v18;
	v9 =	vshrl.u32 v25, $0x5;
	v12 =	vld.idx.msk [tilespmem:v28+s24+$0x0], $0xffff;
	v18 =	vand.u32 $0x1, v19;
	v19 =	vshrl.u32 v21, v22  }
.LBB2_8:
0x119: {  	v20 =	vld [tilespmem:s4+$0x30];
	s2 =	sadd.s32 $0x80, s2;
	v16 =	vshrl.u32 v16, v17;
	[tilespmem:s1+$0xFFFFFFC0] =	vst v18;
	v17 =	vand.u32 $0x1, v19  }
0x11a: {  	v10 =	vshrl.u32 v15, v10;
	v18 =	vld [tilespmem:s4+$0xFFFFFFD0];
	p1 =	slt.u32 s2, $0x3F80;
	v15 =	vand.u32 $0x1, v16;
	[tilespmem:s1+$0x20] =	vst v17;
	s1 =	sadd.s32 $0x80, s1  }
0x11b: {  	v10 =	vand.u32 $0x1, v10;
	v8 =	vshrl.u32 v14, v8;
	v16 =	vld [tilespmem:s4+$0xFFFFFFE0];
	[tilespmem:s1+$0x30] =	vst v15  }
0x11c: {  	v8 =	vand.u32 $0x1, v8;
	v7 =	vshrl.u32 v13, v7;
	v14 =	vld [tilespmem:s4+$0xFFFFFFF0];
	[tilespmem:s1+$0xFFFFFFD0] =	vst v10  }
0x11d: {  	v7 =	vand.u32 $0x1, v7;
	v6 =	vshrl.u32 v12, v6;
	v13 =	vld [tilespmem:s4+$0x0];
	[tilespmem:s1+$0xFFFFFFE0] =	vst v8  }
0x11e: {  	v6 =	vand.u32 $0x1, v6;
	v5 =	vshrl.u32 v11, v5;
	v12 =	vld [tilespmem:s4+$0x10];
	v15 =	vshrl.u32 v20, $0x5;
	[tilespmem:s1+$0xFFFFFFF0] =	vst v7  }
0x11f: {  	v5 =	vand.u32 $0x1, v5;
	v11 =	vshrl.u32 v18, $0x5;
	v10 =	vand.u32 $0x1F, v18;
	v17 =	vld [tilespmem:s4+$0x20];
	[tilespmem:s1+$0x0] =	vst v6  }
0x120: {  	v18 =	vld [tilespmem:s4+$0xFFFFFFC0];
	v19 =	vshrl.u32 v16, $0x5;
	v8 =	vand.u32 $0x1F, v16;
	[tilespmem:s1+$0x10] =	vst v5  }
0x121: {  	v21 =	vshrl.u32 v14, $0x5;
	v7 =	vand.u32 $0x1F, v14;
	v22 =	vld.idx.msk [tilespmem:v9+s24+$0x0], $0xffff  }
0x122: {  	v23 =	vshrl.u32 v13, $0x5;
	v6 =	vand.u32 $0x1F, v13;
	v24 =	vld.idx.msk [tilespmem:v4+s24+$0x0], $0xffff  }
0x123: {  	v25 =	vshrl.u32 v12, $0x5;
	v5 =	vand.u32 $0x1F, v12;
	v16 =	vld.idx.msk [tilespmem:v15+s24+$0x0], $0xffff  }
.Ltmp3:
0x124: {  	v15 =	vld.idx.msk [tilespmem:v11+s24+$0x0], $0xffff;
	v4 =	vshrl.u32 v17, $0x5;
	v26 =	vand.u32 $0x1F, v17;
	(pc) =	sbr.rel @p1 .LBB2_8-.Ltmp3, $4  }
0x125: {  	v9 =	vshrl.u32 v18, $0x5;
	v11 =	vand.u32 $0x1F, v18;
	v14 =	vld.idx.msk [tilespmem:v19+s24+$0x0], $0xffff  }
0x126: {  	v13 =	vld.idx.msk [tilespmem:v21+s24+$0x0], $0xffff  }
0x127: {  	v18 =	vshrl.u32 v22, v3;
	v3 =	vmov v11;
	v12 =	vld.idx.msk [tilespmem:v23+s24+$0x0], $0xffff  }
0x128: {  	s4 =	sadd.s32 $0x80, s4;
	v17 =	vand.u32 $0x1F, v20;
	v18 =	vand.u32 $0x1, v18;
	v19 =	vshrl.u32 v24, v2;
	v2 =	vmovc v26;
	v11 =	vld.idx.msk [tilespmem:v25+s24+$0x0], $0xffff  }
0x129: {  	_ =	sdelay $0x2  }
0x12a: {  	v16 =	vshrl.u32 v16, v17;
	[tilespmem:s1+$0xFFFFFFC0] =	vst v18;
	v17 =	vand.u32 $0x1, v19  }
0x12b: {  	v10 =	vshrl.u32 v15, v10;
	s7 =	sadd.s32 $0x80, s1;
	v9 =	vld.idx.msk [tilespmem:v9+s24+$0x0], $0xffff;
	v15 =	vand.u32 $0x1, v16;
	[tilespmem:s1+$0x20] =	vst v17  }
0x12c: {  	v4 =	vld.idx.msk [tilespmem:v4+s24+$0x0], $0xffff;
	v10 =	vand.u32 $0x1, v10;
	v8 =	vshrl.u32 v14, v8;
	[tilespmem:s7+$0x30] =	vst v15  }
0x12d: {  	[tilespmem:s7+$0xFFFFFFD0] =	vst v10;
	v8 =	vand.u32 $0x1, v8;
	v7 =	vshrl.u32 v13, v7  }
0x12e: {  	[tilespmem:s7+$0xFFFFFFE0] =	vst v8;
	v7 =	vand.u32 $0x1, v7;
	v6 =	vshrl.u32 v12, v6  }
0x12f: {  	[tilespmem:s7+$0xFFFFFFF0] =	vst v7;
	v6 =	vand.u32 $0x1, v6;
	v5 =	vshrl.u32 v11, v5  }
0x130: {  	[tilespmem:s7+$0x0] =	vst v6;
	v5 =	vand.u32 $0x1, v5;
	v3 =	vshrl.u32 v9, v3  }
0x131: {  	v2 =	vshrl.u32 v4, v2;
	[tilespmem:s7+$0x10] =	vst v5;
	v3 =	vand.u32 $0x1, v3  }
0x132: {  	v2 =	vand.u32 $0x1, v2;
	[tilespmem:s7+$0xFFFFFFC0] =	vst v3  }
0x133: {  	[tilespmem:s7+$0x20] =	vst v2  }
0x134: {  	[hbm4b:s14+s3] =	stream.linear.scatter [tilespmem:s26], [sflag:$0x4], $0x4000, $0x38;
	[tilespmem:$0x127C8] =	vst v63  }
0x135: {  	_ =	swait.ge [sflag:s28], $0x4000  }
0x136: {  	[sflag:s28] =	ssyncset.done $0x0  }
0x137: {  	[sflag:s28] =	ssyncadd.s32 $0xFFFFC000  }
0x138: {  	_ =	swait.ge [sflag:s31], $0x4000  }
0x139: {  	[sflag:s31] =	ssyncset.done $0x0  }
0x13a: {  	s8 =	simm.s32 $0x6740;
	[sflag:s31] =	ssyncadd.s32 $0xFFFFC000  }
0x13b: {  	v2 =	vld [tilespmem:s8+$0x30]  }
0x13c: {  	v3 =	vld [tilespmem:s8+$0xFFFFFFD0]  }
0x13d: {  	v4 =	vld [tilespmem:s8+$0xFFFFFFE0]  }
0x13e: {  	v5 =	vld [tilespmem:s8+$0xFFFFFFF0]  }
0x13f: {  	v6 =	vld [tilespmem:s8+$0x0]  }
0x140: {  	v7 =	vld [tilespmem:s8+$0x10]  }
0x141: {  	v11 =	vld [tilespmem:s8+$0x20]  }
0x142: {  	s21 =	simm.s32 $0x67C0;
	v13 =	vld [tilespmem:s8+$0xFFFFFFC0]  }
0x143: {  	v17 =	vld [tilespmem:s21+$0x30]  }
0x144: {  	v18 =	vld [tilespmem:s21+$0xFFFFFFD0];
	v8 =	vshrl.u32 v2, $0x5  }
0x145: {  	v19 =	vld [tilespmem:s21+$0xFFFFFFE0];
	v9 =	vshrl.u32 v3, $0x5  }
0x146: {  	v20 =	vld [tilespmem:s21+$0xFFFFFFF0];
	v10 =	vshrl.u32 v4, $0x5  }
0x147: {  	v12 =	vshrl.u32 v5, $0x5;
	v21 =	vshrl.u32 v11, $0x5;
	v22 =	vand.u32 $0x1F, v11;
	v11 =	vld [tilespmem:s21+$0x0]  }
0x148: {  	v14 =	vshrl.u32 v6, $0x5;
	v16 =	vshrl.u32 v13, $0x5;
	v23 =	vand.u32 $0x1F, v13;
	v13 =	vld [tilespmem:s21+$0x10]  }
0x149: {  	v8 =	vld.idx.msk [tilespmem:v8+s24+$0x0], $0xffff  }
0x14a: {  	v15 =	vshrl.u32 v7, $0x5;
	v9 =	vld.idx.msk [tilespmem:v9+s24+$0x0], $0xffff  }
0x14b: {  	v10 =	vld.idx.msk [tilespmem:v10+s24+$0x0], $0xffff  }
0x14c: {  	v3 =	vand.u32 $0x1F, v3;
	v12 =	vld.idx.msk [tilespmem:v12+s24+$0x0], $0xffff  }
0x14d: {  	v4 =	vand.u32 $0x1F, v4;
	v5 =	vand.u32 $0x1F, v5;
	v6 =	vand.u32 $0x1F, v6;
	v14 =	vld.idx.msk [tilespmem:v14+s24+$0x0], $0xffff  }
0x14e: {  	v25 =	vld [tilespmem:s21+$0xFFFFFFC0];
	v7 =	vand.u32 $0x1F, v7;
	v2 =	vand.u32 $0x1F, v2;
	v24 =	vshrl.u32 v17, $0x5  }
0x14f: {  	v26 =	vshrl.u32 v19, $0x5;
	v17 =	vand.u32 $0x1F, v17;
	v15 =	vld.idx.msk [tilespmem:v15+s24+$0x0], $0xffff;
	v28 =	vshrl.u32 v11, $0x5  }
0x150: {  	v27 =	vld.idx.msk [tilespmem:v16+s24+$0x0], $0xffff;
	v29 =	vshrl.u32 v13, $0x5;
	v2 =	vshrl.u32 v8, v2;
	v8 =	vshrl.u32 v18, $0x5  }
0x151: {  	v21 =	vld.idx.msk [tilespmem:v21+s24+$0x0], $0xffff;
	v3 =	vshrl.u32 v9, v3;
	v4 =	vshrl.u32 v10, v4;
	v5 =	vshrl.u32 v12, v5  }
0x152: {  	s1 =	simm.s32 $0xE740;
	v9 =	vld [tilespmem:s21+$0x20];
	v12 =	vshrl.u32 v20, $0x5;
	v6 =	vshrl.u32 v14, v6;
	v2 =	vand.u32 $0x1, v2  }
0x153: {  	v16 =	vld.idx.msk [tilespmem:v24+s24+$0x0], $0xffff;
	v10 =	vand.u32 $0x1F, v18;
	v3 =	vand.u32 $0x1, v3;
	v4 =	vand.u32 $0x1, v4;
	[tilespmem:s1+$0x30] =	vst v2  }
0x154: {  	v14 =	vld.idx.msk [tilespmem:v26+s24+$0x0], $0xffff;
	v2 =	vand.u32 $0x1, v5;
	v5 =	vshrl.u32 v15, v7;
	[tilespmem:s1+$0xFFFFFFD0] =	vst v3;
	v3 =	vand.u32 $0x1, v6  }
0x155: {  	[tilespmem:s1+$0xFFFFFFE0] =	vst v4;
	v7 =	vand.u32 $0x1F, v20;
	v6 =	vand.u32 $0x1F, v11;
	v18 =	vand.u32 $0x1, v5;
	v15 =	vld.idx.msk [tilespmem:v8+s24+$0x0], $0xffff  }
0x156: {  	v11 =	vld.idx.msk [tilespmem:v29+s24+$0x0], $0xffff;
	v5 =	vand.u32 $0x1F, v13;
	[tilespmem:s1+$0x0] =	vst v3;
	v3 =	vand.u32 $0x1F, v25;
	v8 =	vand.u32 $0x1F, v19  }
0x157: {  	[tilespmem:s1+$0xFFFFFFF0] =	vst v2;
	v4 =	vshrl.u32 v9, $0x5;
	v2 =	vand.u32 $0x1F, v9;
	v13 =	vld.idx.msk [tilespmem:v12+s24+$0x0], $0xffff;
	v19 =	vshrl.u32 v27, v23  }
0x158: {  	s2 =	simm.s32 $0x80;
	s4 =	simm.s32 $0x6840;
	[tilespmem:s1+$0x10] =	vst v18;
	v9 =	vshrl.u32 v25, $0x5;
	v12 =	vld.idx.msk [tilespmem:v28+s24+$0x0], $0xffff;
	v18 =	vand.u32 $0x1, v19;
	v19 =	vshrl.u32 v21, v22  }
.LBB2_10:
0x159: {  	v20 =	vld [tilespmem:s4+$0x30];
	s2 =	sadd.s32 $0x80, s2;
	v16 =	vshrl.u32 v16, v17;
	[tilespmem:s1+$0xFFFFFFC0] =	vst v18;
	v17 =	vand.u32 $0x1, v19  }
0x15a: {  	v10 =	vshrl.u32 v15, v10;
	v18 =	vld [tilespmem:s4+$0xFFFFFFD0];
	p1 =	slt.u32 s2, $0x3F80;
	v15 =	vand.u32 $0x1, v16;
	[tilespmem:s1+$0x20] =	vst v17;
	s1 =	sadd.s32 $0x80, s1  }
0x15b: {  	v10 =	vand.u32 $0x1, v10;
	v8 =	vshrl.u32 v14, v8;
	v16 =	vld [tilespmem:s4+$0xFFFFFFE0];
	[tilespmem:s1+$0x30] =	vst v15  }
0x15c: {  	v8 =	vand.u32 $0x1, v8;
	v7 =	vshrl.u32 v13, v7;
	v14 =	vld [tilespmem:s4+$0xFFFFFFF0];
	[tilespmem:s1+$0xFFFFFFD0] =	vst v10  }
0x15d: {  	v7 =	vand.u32 $0x1, v7;
	v6 =	vshrl.u32 v12, v6;
	v13 =	vld [tilespmem:s4+$0x0];
	[tilespmem:s1+$0xFFFFFFE0] =	vst v8  }
0x15e: {  	v6 =	vand.u32 $0x1, v6;
	v5 =	vshrl.u32 v11, v5;
	v12 =	vld [tilespmem:s4+$0x10];
	v15 =	vshrl.u32 v20, $0x5;
	[tilespmem:s1+$0xFFFFFFF0] =	vst v7  }
0x15f: {  	v5 =	vand.u32 $0x1, v5;
	v11 =	vshrl.u32 v18, $0x5;
	v10 =	vand.u32 $0x1F, v18;
	v17 =	vld [tilespmem:s4+$0x20];
	[tilespmem:s1+$0x0] =	vst v6  }
0x160: {  	v18 =	vld [tilespmem:s4+$0xFFFFFFC0];
	v19 =	vshrl.u32 v16, $0x5;
	v8 =	vand.u32 $0x1F, v16;
	[tilespmem:s1+$0x10] =	vst v5  }
0x161: {  	v21 =	vshrl.u32 v14, $0x5;
	v7 =	vand.u32 $0x1F, v14;
	v22 =	vld.idx.msk [tilespmem:v9+s24+$0x0], $0xffff  }
0x162: {  	v23 =	vshrl.u32 v13, $0x5;
	v6 =	vand.u32 $0x1F, v13;
	v24 =	vld.idx.msk [tilespmem:v4+s24+$0x0], $0xffff  }
0x163: {  	v25 =	vshrl.u32 v12, $0x5;
	v5 =	vand.u32 $0x1F, v12;
	v16 =	vld.idx.msk [tilespmem:v15+s24+$0x0], $0xffff  }
.Ltmp4:
0x164: {  	v15 =	vld.idx.msk [tilespmem:v11+s24+$0x0], $0xffff;
	v4 =	vshrl.u32 v17, $0x5;
	v26 =	vand.u32 $0x1F, v17;
	(pc) =	sbr.rel @p1 .LBB2_10-.Ltmp4, $4  }
0x165: {  	v9 =	vshrl.u32 v18, $0x5;
	v11 =	vand.u32 $0x1F, v18;
	v14 =	vld.idx.msk [tilespmem:v19+s24+$0x0], $0xffff  }
0x166: {  	v13 =	vld.idx.msk [tilespmem:v21+s24+$0x0], $0xffff  }
0x167: {  	v18 =	vshrl.u32 v22, v3;
	v3 =	vmov v11;
	v12 =	vld.idx.msk [tilespmem:v23+s24+$0x0], $0xffff  }
0x168: {  	s4 =	sadd.s32 $0x80, s4;
	v17 =	vand.u32 $0x1F, v20;
	v18 =	vand.u32 $0x1, v18;
	v19 =	vshrl.u32 v24, v2;
	v2 =	vmovc v26;
	v11 =	vld.idx.msk [tilespmem:v25+s24+$0x0], $0xffff  }
0x169: {  	_ =	sdelay $0x2  }
0x16a: {  	v16 =	vshrl.u32 v16, v17;
	[tilespmem:s1+$0xFFFFFFC0] =	vst v18;
	v62 =	vand.u32 $0x1, v19  }
0x16b: {  	v10 =	vshrl.u32 v15, v10;
	s21 =	sadd.s32 $0x80, s1;
	v9 =	vld.idx.msk [tilespmem:v9+s24+$0x0], $0xffff;
	v63 =	vand.u32 $0x1, v16;
	[tilespmem:s1+$0x20] =	vst v62  }
0x16c: {  	v4 =	vld.idx.msk [tilespmem:v4+s24+$0x0], $0xffff;
	v10 =	vand.u32 $0x1, v10;
	v8 =	vshrl.u32 v14, v8;
	[tilespmem:s21+$0x30] =	vst v63  }
0x16d: {  	[tilespmem:s21+$0xFFFFFFD0] =	vst v10;
	v8 =	vand.u32 $0x1, v8;
	v7 =	vshrl.u32 v13, v7  }
0x16e: {  	[tilespmem:s21+$0xFFFFFFE0] =	vst v8;
	v7 =	vand.u32 $0x1, v7;
	v6 =	vshrl.u32 v12, v6  }
0x16f: {  	[tilespmem:s21+$0xFFFFFFF0] =	vst v7;
	v6 =	vand.u32 $0x1, v6;
	v5 =	vshrl.u32 v11, v5  }
0x170: {  	[tilespmem:s21+$0x0] =	vst v6;
	v5 =	vand.u32 $0x1, v5;
	v3 =	vshrl.u32 v9, v3  }
0x171: {  	v2 =	vshrl.u32 v4, v2;
	[tilespmem:s21+$0x10] =	vst v5;
	v3 =	vand.u32 $0x1, v3  }
0x172: {  	v2 =	vand.u32 $0x1, v2;
	[tilespmem:s21+$0xFFFFFFC0] =	vst v3  }
0x173: {  	s0 =	sadd.s32 $0x1, s0;
	[tilespmem:s21+$0x20] =	vst v2  }
0x174: {  	[hbm4b:s15+s3] =	stream.linear.scatter [tilespmem:s29], [sflag:$0x5], $0x4000, $0x38;
	[tilespmem:$0x127C8] =	vst v63  }
0x175: {  	p1 =	sne.s32 s0, s16;
	_ =	swait.ge [sflag:s30], $0x4000  }
.Ltmp5:
0x176: {  	[sflag:s30] =	ssyncset.done $0x0;
	(pc) =	sbr.rel @p1 .LBB2_1-.Ltmp5, $4  }
0x177: {  	[sflag:s30] =	ssyncadd.s32 $0xFFFFC000  }
0x178: {  	_ =	swait.ge [sflag:s31], $0x4000  }
0x179: {  	[sflag:s31] =	ssyncset.done $0x0  }
0x17a: {  	[sflag:s31] =	ssyncadd.s32 $0xFFFFC000  }
0x17b: {  	_ =	sfence.sel $0x180000  }
0x17c: {  	[bflag:$0x0] =	sbarrier.arrive $0xFFFF  }
0x17d: {  	_ =	strace $0x90000047  }
0x17e: {  	s0 =	stileid.u32;
	[bflag:$0x2] =	sbarrier.arrive $0xFFFF  }
0x17f: {  	p0 =	sne.s32 s0, $0x0;
	s0 =	rddreg [dreg:$0x5]  }
0x180: {  	s0 =	sadd.s32 @!p0 $0x100000, s0  }
0x181: {  	[sflag:s0] =	ssyncadd.tile.s32 @!p0 $0x1;
	_ =	shalt  }
.Lfunc_end2:
_tile_overlayer_lowered:
.L_overlay_start_2:
0x182: {  	(tag) =	ssettag $0x2  }
0x183: {  	s0 =	rddreg [dreg:$0x0];
	s2 =	stileid.u32  }
0x184: {  	s1 =	rddreg [dreg:$0x1];
	p0 =	sne.s32 s2, $0x0  }
0x185: {  	s3 =	rddreg [dreg:$0x2];
	[bflag:$0x3] =	sbarrier.arrive $0xFFFF;
	s2 =	simm.s32 @!p0 $0x1C06  }
0x186: {  	[timem:s3], [sflag:s2] =	dma.local @!p0 [hbm:s0], s1  }
0x187: {  	s0 =	simm.s32 @!p0 $0x6  }
0x188: {  	_ =	swait.ge @!p0 [sflag:s0], s1  }
0x189: {  	s1 =	ssub.s32 @!p0 $0x0, s1;
	[sflag:s0] =	ssyncset.done @!p0 $0x0  }
0x18a: {  	[sflag:s0] =	ssyncadd.s32 @!p0 s1  }
0x18b: {  	[bflag:$0x3] =	sbarrier.arrive $0xFFFF  }
0x18c: {  	_ =	shalt  }

</sc_bundles>
